<compile_context>
chip_gen: v7x
topology: tpu7x:2x2x1
jax: 0.10.2.dev20260603
libtpu: 0.0.44.dev20260713+nightly
codegen_flags: <defaults>
</compile_context>

<pallas_src>
import functools

import jax
import jax.numpy as jnp
import numpy as np
from jax import lax
from jax.experimental import pallas as pl
from jax.experimental.pallas import tpu as pltpu
from jax.experimental.pallas import tpu_sc as plsc

_PS = 4
_GRID = 32
_AIR = (102, 576, 3352)
_HREG = 3728
_NHIST = 4

_NC, _NS = 2, 16
_NW = _NC * _NS
_L = 64

_LOGTAB = np.zeros(80, np.float32)
_LOGTAB[1:65] = np.log(np.arange(1, 65, dtype=np.float64)).astype(np.float32)


def _sc_body(flat_hbm, logtab_hbm, out_hbm, data_v, hist_v, hist2_v,
             logtab_v, out_v, dma_sem):
    pw = data_v.shape[0]
    wid = lax.axis_index("c") * _NS + lax.axis_index("s")

    slab = pltpu.async_copy(flat_hbm.at[pl.ds(wid * pw, pw)], data_v,
                            dma_sem)
    pltpu.sync_copy(logtab_hbm, logtab_v)

    zeros16 = jnp.zeros((16,), jnp.int32)
    zeros16f = jnp.zeros((16,), jnp.float32)
    ones16 = jnp.ones((16,), jnp.int32)
    full64 = jnp.full((16,), _L, jnp.int32)

    def zero_body(j, carry):
        for u in range(8):
            hist_v[pl.ds(j * 256 + u * 32, 16)] = zeros16
            hist_v[pl.ds(j * 256 + u * 32 + 16, 16)] = zeros16
            hist2_v[pl.ds(j * 256 + u * 32, 16)] = zeros16
            hist2_v[pl.ds(j * 256 + u * 32 + 16, 16)] = zeros16
        return carry
    nz = _NHIST * _HREG
    lax.fori_loop(0, nz // 256, zero_body, 0)
    for u in range(nz % 256 // 16):
        hist_v[pl.ds(nz // 256 * 256 + u * 16, 16)] = zeros16
        hist2_v[pl.ds(nz // 256 * 256 + u * 16, 16)] = zeros16
    slab.wait()

    lane = lax.iota(jnp.int32, 16)
    pat = (lane >> 2) * _HREG
    airp = [pat + a for a in _AIR]

    def load_unit(rows, h):
        return [data_v[pl.ds(r + 16 * h, 16)] + pat for r in rows]

    def scatter_unit(hist, idxs):
        for idx in idxs:
            plsc.addupdate_scatter(hist, [idx], ones16)

    def gather_unit(hist, idxs, acc):
        n_t = [plsc.load_gather(hist, [a]) for a in airp]
        s_vec = full64 - (n_t[0] + n_t[1] + n_t[2])
        log_s = plsc.load_gather(logtab_v, [s_vec])
        recip = 1.0 / jnp.maximum(s_vec.astype(jnp.float32), 1.0)
        corr = zeros16f
        for n in n_t:
            log_n = plsc.load_gather(logtab_v, [n])
            corr = corr + n.astype(jnp.float32) * (log_s - log_n)
        lcs = []
        for idx in idxs:
            cv = plsc.load_gather(hist, [idx])
            lcs.append(plsc.load_gather(logtab_v, [cv]))
        while len(lcs) > 1:
            lcs = [a + b for a, b in zip(lcs[::2], lcs[1::2])]
        inner = log_s * 16.0 - lcs[0] - corr * 0.25
        return acc + inner * recip

    def clear_unit(hist, idxs):
        for idx in idxs:
            plsc.store_scatter(hist, [idx], zeros16)

    def group_body(g, acc):
        base = ((g >> 6) * 32768 + ((g >> 3) & 7) * 4096 + (g & 7) * 128)
        rows = [base + a * 1024 + c * 32 for a in range(_PS)
                for c in range(_PS)]
        lo = load_unit(rows, 0)
        scatter_unit(hist_v, lo)
        hi = load_unit(rows, 1)
        scatter_unit(hist2_v, hi)
        acc = gather_unit(hist_v, lo, acc)
        clear_unit(hist_v, lo)
        acc = gather_unit(hist2_v, hi, acc)
        clear_unit(hist2_v, hi)
        return acc

    n_groups = pw // (16 * 32)
    acc = lax.fori_loop(0, n_groups, group_body, zeros16f)
    out_v[...] = acc
    pltpu.sync_copy(out_v, out_hbm.at[wid])


@jax.jit
def _sc_entropy(flat, logtab):
    pw = flat.shape[0] // _NW
    fn = functools.partial(
        pl.kernel,
        out_type=jax.ShapeDtypeStruct((_NW, 16), jnp.float32),
        mesh=plsc.VectorSubcoreMesh(
            core_axis_name="c", subcore_axis_name="s",
            num_cores=_NC, num_subcores=_NS),
        scratch_types=[
            pltpu.VMEM((pw,), jnp.int32),
            pltpu.VMEM((_NHIST * _HREG,), jnp.int32),
            pltpu.VMEM((_NHIST * _HREG,), jnp.int32),
            pltpu.VMEM((80,), jnp.float32),
            pltpu.VMEM((16,), jnp.float32),
            pltpu.SemaphoreType.DMA,
        ],
        compiler_params=pltpu.CompilerParams(needs_layout_passes=False),
    )(_sc_body)
    return fn(flat, logtab)


def kernel(structure):
    B = structure.shape[0]
    n = _GRID // _PS
    num_patches = n * n * n
    partials = _sc_entropy(structure.reshape(-1), jnp.asarray(_LOGTAB))
    total = jnp.sum(partials)
    return total / (B * num_patches + 1e-06)

# --- scband reference (transcript-rebuilt; emitter-appended) ---
"""Pipeline reference for scband-patch-consistency-loss-54666343744090 (READ-ONLY COPY).

The authoritative reference and input builder live on the scoring server;
editing this copy changes nothing except your own understanding.
"""

import jax, jax.numpy as jnp
import numpy as np

PATCH_SIZE = 4
AIR_TOKENS = (102, 576, 3352)
GRID = 32


def setup_inputs(seed: int = 0) -> dict:
    key = jax.random.key(seed)
    structure = jax.random.randint(key, (64, GRID, GRID, GRID), 0, 3717, dtype=jnp.int32)
    return {"structure": structure}


def reference(structure):
    # structure: [B, 32, 32, 32] int token ids
    B = structure.shape[0]
    ps = PATCH_SIZE
    n = GRID // ps
    # torch unfold(1,ps,ps).unfold(2,ps,ps).unfold(3,ps,ps) -> [B,n,n,n,ps,ps,ps]
    p = structure.reshape(B, n, ps, n, ps, n, ps)
    p = jnp.transpose(p, (0, 1, 3, 5, 2, 4, 6)).reshape(B, n * n * n, ps * ps * ps)
    num_patches = n * n * n
    L = ps * ps * ps
    air = jnp.array(AIR_TOKENS, dtype=p.dtype)
    non_air = ~jnp.isin(p, air)  # [B, P, L]
    # per-element count of its own value within the patch (equals unique-count c_v)
    eq = p[..., :, None] == p[..., None, :]  # [B, P, L, L]
    counts = eq.sum(-1).astype(jnp.float32)  # [B, P, L]
    S = non_air.astype(jnp.float32).sum(-1, keepdims=True)  # [B, P, 1] total non-air count
    S_safe = jnp.where(S > 0, S, 1.0)
    probs = counts / S_safe  # p_v replicated c_v times per element
    # divide by counts so each unique value contributes its term exactly once
    term = -(probs * jnp.log(probs + 1e-10)) / counts  # [B, P, L]
    term = jnp.where(non_air & (S > 0), term, 0.0)
    entropy_per_patch = term.sum(-1)  # [B, P]
    total_entropy = entropy_per_patch.sum()
    return total_entropy / (B * num_patches + 1e-06)

if __name__ == "__main__":
    import jax
    _d = setup_inputs()
    print(jax.jit(kernel)(*tuple(_d.values())))

</pallas_src>

<mosaic_0001>
#map = affine_map<(d0, d1) -> (0)>
#map1 = affine_map<(d0, d1) -> (0, 0)>
module attributes {stable_mosaic.version = 14 : i64} {
  func.func @_sc_body(%arg0: i32, %arg1: i32, %arg2: memref<2097152xi32, #tpu.memory_space<hbm>>, %arg3: memref<80xf32, #tpu.memory_space<hbm>>, %arg4: memref<32x16xf32, #tpu.memory_space<hbm>>, %arg5: memref<65536xi32, #tpu.memory_space<vmem>>, %arg6: memref<14912xi32, #tpu.memory_space<vmem>>, %arg7: memref<14912xi32, #tpu.memory_space<vmem>>, %arg8: memref<80xf32, #tpu.memory_space<vmem>>, %arg9: memref<16xf32, #tpu.memory_space<vmem>>, %arg10: memref<!tpu.dma_semaphore, #tpu.memory_space<semaphore_mem>>) attributes {dimension_semantics = [#tpu.dimension_semantics<core_parallel>, #tpu.dimension_semantics<subcore_parallel>], iteration_bounds = array<i64: 2, 16>, scalar_prefetch = 0 : i64, scratch_operands = 6 : i64, tpu.core_type = #tpu.core_type<sc_vector_subcore>, window_params = [{transform_indices = #map}, {transform_indices = #map}, {transform_indices = #map1}]} {
    %mul3A = arith.constant 16 : i32
    %mul3A_0 = arith.muli %arg0, %mul3A : i32
    %add3A = arith.addi %mul3A_0, %arg1 : i32
    %mul3A_1 = arith.constant 65536 : i32
    %mul3A_2 = arith.muli %add3A, %mul3A_1 : i32
    %dma_start3A = tpu.memref_slice %arg2[%mul3A_2] : memref<2097152xi32, #tpu.memory_space<hbm>> -> memref<65536xi32, #tpu.memory_space<hbm>>
    %dma_start3A_3 = tpu.memref_slice %arg2[%mul3A_2] : memref<2097152xi32, #tpu.memory_space<hbm>> -> memref<65536xi32, #tpu.memory_space<hbm>>
    tpu.enqueue_dma source(%dma_start3A_3 : memref<65536xi32, #tpu.memory_space<hbm>>) target(%arg5 : memref<65536xi32, #tpu.memory_space<vmem>>) target_semaphore(%arg10 : memref<!tpu.dma_semaphore, #tpu.memory_space<semaphore_mem>>)
    "tpu.region"() ({
      %run_scoped3A = tpu.sem_alloc : memref<!tpu.dma_semaphore, #tpu.memory_space<semaphore_mem>>
      tpu.enqueue_dma source(%arg3 : memref<80xf32, #tpu.memory_space<hbm>>) target(%arg8 : memref<80xf32, #tpu.memory_space<vmem>>) target_semaphore(%run_scoped3A : memref<!tpu.dma_semaphore, #tpu.memory_space<semaphore_mem>>)
      tpu.wait_dma2 semaphore(%run_scoped3A : memref<!tpu.dma_semaphore, #tpu.memory_space<semaphore_mem>>) src(%arg3 : memref<80xf32, #tpu.memory_space<hbm>>) dst(%arg8 : memref<80xf32, #tpu.memory_space<vmem>>)
      tpu.yield
    }) : () -> ()
    %broadcast_in_dim3A = arith.constant 0 : i32
    %broadcast_in_dim3A_4 = vector.broadcast %broadcast_in_dim3A : i32 to vector<16xi32>
    %broadcast_in_dim3A_5 = arith.constant 0.000000e+00 : f32
    %broadcast_in_dim3A_6 = vector.broadcast %broadcast_in_dim3A_5 : f32 to vector<16xf32>
    %broadcast_in_dim3A_7 = arith.constant 1 : i32
    %broadcast_in_dim3A_8 = vector.broadcast %broadcast_in_dim3A_7 : i32 to vector<16xi32>
    %broadcast_in_dim3A_9 = arith.constant 64 : i32
    %broadcast_in_dim3A_10 = vector.broadcast %broadcast_in_dim3A_9 : i32 to vector<16xi32>
    %scan3A = arith.constant 0 : i32
    %scan3A_11 = arith.constant 0 : i32
    %scan3A_12 = arith.constant 58 : i32
    %scan3A_13 = arith.addi %scan3A_11, %scan3A_12 : i32
    %scan3A_14 = arith.constant 1 : i32
    scf.for %scan3A_54 = %scan3A_11 to %scan3A_13 step %scan3A_14  : i32 {
      %mul3A_55 = arith.constant 256 : i32
      %mul3A_56 = arith.muli %scan3A_54, %mul3A_55 : i32
      %add3A_57 = arith.constant 0 : i32
      %add3A_58 = arith.addi %mul3A_56, %add3A_57 : i32
      %swap3A_59 = arith.index_cast %add3A_58 : i32 to index
      %swap3A_60 = tpu.vector_load %arg6[%swap3A_59] {strides = array<i32>} : memref<14912xi32, #tpu.memory_space<vmem>>, vector<16xi32>,
      tpu.vector_store %arg6[%swap3A_59], %broadcast_in_dim3A_4 {strides = array<i32>} : memref<14912xi32, #tpu.memory_space<vmem>>, vector<16xi32>,
      %mul3A_61 = arith.constant 256 : i32
      %mul3A_62 = arith.muli %scan3A_54, %mul3A_61 : i32
      %add3A_63 = arith.constant 0 : i32
      %add3A_64 = arith.addi %mul3A_62, %add3A_63 : i32
      %add3A_65 = arith.constant 16 : i32
      %add3A_66 = arith.addi %add3A_64, %add3A_65 : i32
      %swap3A_67 = arith.index_cast %add3A_66 : i32 to index
      %swap3A_68 = tpu.vector_load %arg6[%swap3A_67] {strides = array<i32>} : memref<14912xi32, #tpu.memory_space<vmem>>, vector<16xi32>,
      tpu.vector_store %arg6[%swap3A_67], %broadcast_in_dim3A_4 {strides = array<i32>} : memref<14912xi32, #tpu.memory_space<vmem>>, vector<16xi32>,
      %mul3A_69 = arith.constant 256 : i32
      %mul3A_70 = arith.muli %scan3A_54, %mul3A_69 : i32
      %add3A_71 = arith.constant 0 : i32
      %add3A_72 = arith.addi %mul3A_70, %add3A_71 : i32
      %swap3A_73 = arith.index_cast %add3A_72 : i32 to index
      %swap3A_74 = tpu.vector_load %arg7[%swap3A_73] {strides = array<i32>} : memref<14912xi32, #tpu.memory_space<vmem>>, vector<16xi32>,
      tpu.vector_store %arg7[%swap3A_73], %broadcast_in_dim3A_4 {strides = array<i32>} : memref<14912xi32, #tpu.memory_space<vmem>>, vector<16xi32>,
      %mul3A_75 = arith.constant 256 : i32
      %mul3A_76 = arith.muli %scan3A_54, %mul3A_75 : i32
      %add3A_77 = arith.constant 0 : i32
      %add3A_78 = arith.addi %mul3A_76, %add3A_77 : i32
      %add3A_79 = arith.constant 16 : i32
      %add3A_80 = arith.addi %add3A_78, %add3A_79 : i32
      %swap3A_81 = arith.index_cast %add3A_80 : i32 to index
      %swap3A_82 = tpu.vector_load %arg7[%swap3A_81] {strides = array<i32>} : memref<14912xi32, #tpu.memory_space<vmem>>, vector<16xi32>,
      tpu.vector_store %arg7[%swap3A_81], %broadcast_in_dim3A_4 {strides = array<i32>} : memref<14912xi32, #tpu.memory_space<vmem>>, vector<16xi32>,
      %mul3A_83 = arith.constant 256 : i32
      %mul3A_84 = arith.muli %scan3A_54, %mul3A_83 : i32
      %add3A_85 = arith.constant 32 : i32
      %add3A_86 = arith.addi %mul3A_84, %add3A_85 : i32
      %swap3A_87 = arith.index_cast %add3A_86 : i32 to index
      %swap3A_88 = tpu.vector_load %arg6[%swap3A_87] {strides = array<i32>} : memref<14912xi32, #tpu.memory_space<vmem>>, vector<16xi32>,
      tpu.vector_store %arg6[%swap3A_87], %broadcast_in_dim3A_4 {strides = array<i32>} : memref<14912xi32, #tpu.memory_space<vmem>>, vector<16xi32>,
      %mul3A_89 = arith.constant 256 : i32
      %mul3A_90 = arith.muli %scan3A_54, %mul3A_89 : i32
      %add3A_91 = arith.constant 32 : i32
      %add3A_92 = arith.addi %mul3A_90, %add3A_91 : i32
      %add3A_93 = arith.constant 16 : i32
      %add3A_94 = arith.addi %add3A_92, %add3A_93 : i32
      %swap3A_95 = arith.index_cast %add3A_94 : i32 to index
      %swap3A_96 = tpu.vector_load %arg6[%swap3A_95] {strides = array<i32>} : memref<14912xi32, #tpu.memory_space<vmem>>, vector<16xi32>,
      tpu.vector_store %arg6[%swap3A_95], %broadcast_in_dim3A_4 {strides = array<i32>} : memref<14912xi32, #tpu.memory_space<vmem>>, vector<16xi32>,
      %mul3A_97 = arith.constant 256 : i32
      %mul3A_98 = arith.muli %scan3A_54, %mul3A_97 : i32
      %add3A_99 = arith.constant 32 : i32
      %add3A_100 = arith.addi %mul3A_98, %add3A_99 : i32
      %swap3A_101 = arith.index_cast %add3A_100 : i32 to index
      %swap3A_102 = tpu.vector_load %arg7[%swap3A_101] {strides = array<i32>} : memref<14912xi32, #tpu.memory_space<vmem>>, vector<16xi32>,
      tpu.vector_store %arg7[%swap3A_101], %broadcast_in_dim3A_4 {strides = array<i32>} : memref<14912xi32, #tpu.memory_space<vmem>>, vector<16xi32>,
      %mul3A_103 = arith.constant 256 : i32
      %mul3A_104 = arith.muli %scan3A_54, %mul3A_103 : i32
      %add3A_105 = arith.constant 32 : i32
      %add3A_106 = arith.addi %mul3A_104, %add3A_105 : i32
      %add3A_107 = arith.constant 16 : i32
      %add3A_108 = arith.addi %add3A_106, %add3A_107 : i32
      %swap3A_109 = arith.index_cast %add3A_108 : i32 to index
      %swap3A_110 = tpu.vector_load %arg7[%swap3A_109] {strides = array<i32>} : memref<14912xi32, #tpu.memory_space<vmem>>, vector<16xi32>,
      tpu.vector_store %arg7[%swap3A_109], %broadcast_in_dim3A_4 {strides = array<i32>} : memref<14912xi32, #tpu.memory_space<vmem>>, vector<16xi32>,
      %mul3A_111 = arith.constant 256 : i32
      %mul3A_112 = arith.muli %scan3A_54, %mul3A_111 : i32
      %add3A_113 = arith.constant 64 : i32
      %add3A_114 = arith.addi %mul3A_112, %add3A_113 : i32
      %swap3A_115 = arith.index_cast %add3A_114 : i32 to index
      %swap3A_116 = tpu.vector_load %arg6[%swap3A_115] {strides = array<i32>} : memref<14912xi32, #tpu.memory_space<vmem>>, vector<16xi32>,
      tpu.vector_store %arg6[%swap3A_115], %broadcast_in_dim3A_4 {strides = array<i32>} : memref<14912xi32, #tpu.memory_space<vmem>>, vector<16xi32>,
      %mul3A_117 = arith.constant 256 : i32
      %mul3A_118 = arith.muli %scan3A_54, %mul3A_117 : i32
      %add3A_119 = arith.constant 64 : i32
      %add3A_120 = arith.addi %mul3A_118, %add3A_119 : i32
      %add3A_121 = arith.constant 16 : i32
      %add3A_122 = arith.addi %add3A_120, %add3A_121 : i32
      %swap3A_123 = arith.index_cast %add3A_122 : i32 to index
      %swap3A_124 = tpu.vector_load %arg6[%swap3A_123] {strides = array<i32>} : memref<14912xi32, #tpu.memory_space<vmem>>, vector<16xi32>,
      tpu.vector_store %arg6[%swap3A_123], %broadcast_in_dim3A_4 {strides = array<i32>} : memref<14912xi32, #tpu.memory_space<vmem>>, vector<16xi32>,
      %mul3A_125 = arith.constant 256 : i32
      %mul3A_126 = arith.muli %scan3A_54, %mul3A_125 : i32
      %add3A_127 = arith.constant 64 : i32
      %add3A_128 = arith.addi %mul3A_126, %add3A_127 : i32
      %swap3A_129 = arith.index_cast %add3A_128 : i32 to index
      %swap3A_130 = tpu.vector_load %arg7[%swap3A_129] {strides = array<i32>} : memref<14912xi32, #tpu.memory_space<vmem>>, vector<16xi32>,
      tpu.vector_store %arg7[%swap3A_129], %broadcast_in_dim3A_4 {strides = array<i32>} : memref<14912xi32, #tpu.memory_space<vmem>>, vector<16xi32>,
      %mul3A_131 = arith.constant 256 : i32
      %mul3A_132 = arith.muli %scan3A_54, %mul3A_131 : i32
      %add3A_133 = arith.constant 64 : i32
      %add3A_134 = arith.addi %mul3A_132, %add3A_133 : i32
      %add3A_135 = arith.constant 16 : i32
      %add3A_136 = arith.addi %add3A_134, %add3A_135 : i32
      %swap3A_137 = arith.index_cast %add3A_136 : i32 to index
      %swap3A_138 = tpu.vector_load %arg7[%swap3A_137] {strides = array<i32>} : memref<14912xi32, #tpu.memory_space<vmem>>, vector<16xi32>,
      tpu.vector_store %arg7[%swap3A_137], %broadcast_in_dim3A_4 {strides = array<i32>} : memref<14912xi32, #tpu.memory_space<vmem>>, vector<16xi32>,
      %mul3A_139 = arith.constant 256 : i32
      %mul3A_140 = arith.muli %scan3A_54, %mul3A_139 : i32
      %add3A_141 = arith.constant 96 : i32
      %add3A_142 = arith.addi %mul3A_140, %add3A_141 : i32
      %swap3A_143 = arith.index_cast %add3A_142 : i32 to index
      %swap3A_144 = tpu.vector_load %arg6[%swap3A_143] {strides = array<i32>} : memref<14912xi32, #tpu.memory_space<vmem>>, vector<16xi32>,
      tpu.vector_store %arg6[%swap3A_143], %broadcast_in_dim3A_4 {strides = array<i32>} : memref<14912xi32, #tpu.memory_space<vmem>>, vector<16xi32>,
      %mul3A_145 = arith.constant 256 : i32
      %mul3A_146 = arith.muli %scan3A_54, %mul3A_145 : i32
      %add3A_147 = arith.constant 96 : i32
      %add3A_148 = arith.addi %mul3A_146, %add3A_147 : i32
      %add3A_149 = arith.constant 16 : i32
      %add3A_150 = arith.addi %add3A_148, %add3A_149 : i32
      %swap3A_151 = arith.index_cast %add3A_150 : i32 to index
      %swap3A_152 = tpu.vector_load %arg6[%swap3A_151] {strides = array<i32>} : memref<14912xi32, #tpu.memory_space<vmem>>, vector<16xi32>,
      tpu.vector_store %arg6[%swap3A_151], %broadcast_in_dim3A_4 {strides = array<i32>} : memref<14912xi32, #tpu.memory_space<vmem>>, vector<16xi32>,
      %mul3A_153 = arith.constant 256 : i32
      %mul3A_154 = arith.muli %scan3A_54, %mul3A_153 : i32
      %add3A_155 = arith.constant 96 : i32
      %add3A_156 = arith.addi %mul3A_154, %add3A_155 : i32
      %swap3A_157 = arith.index_cast %add3A_156 : i32 to index
      %swap3A_158 = tpu.vector_load %arg7[%swap3A_157] {strides = array<i32>} : memref<14912xi32, #tpu.memory_space<vmem>>, vector<16xi32>,
      tpu.vector_store %arg7[%swap3A_157], %broadcast_in_dim3A_4 {strides = array<i32>} : memref<14912xi32, #tpu.memory_space<vmem>>, vector<16xi32>,
      %mul3A_159 = arith.constant 256 : i32
      %mul3A_160 = arith.muli %scan3A_54, %mul3A_159 : i32
      %add3A_161 = arith.constant 96 : i32
      %add3A_162 = arith.addi %mul3A_160, %add3A_161 : i32
      %add3A_163 = arith.constant 16 : i32
      %add3A_164 = arith.addi %add3A_162, %add3A_163 : i32
      %swap3A_165 = arith.index_cast %add3A_164 : i32 to index
      %swap3A_166 = tpu.vector_load %arg7[%swap3A_165] {strides = array<i32>} : memref<14912xi32, #tpu.memory_space<vmem>>, vector<16xi32>,
      tpu.vector_store %arg7[%swap3A_165], %broadcast_in_dim3A_4 {strides = array<i32>} : memref<14912xi32, #tpu.memory_space<vmem>>, vector<16xi32>,
      %mul3A_167 = arith.constant 256 : i32
      %mul3A_168 = arith.muli %scan3A_54, %mul3A_167 : i32
      %add3A_169 = arith.constant 128 : i32
      %add3A_170 = arith.addi %mul3A_168, %add3A_169 : i32
      %swap3A_171 = arith.index_cast %add3A_170 : i32 to index
      %swap3A_172 = tpu.vector_load %arg6[%swap3A_171] {strides = array<i32>} : memref<14912xi32, #tpu.memory_space<vmem>>, vector<16xi32>,
      tpu.vector_store %arg6[%swap3A_171], %broadcast_in_dim3A_4 {strides = array<i32>} : memref<14912xi32, #tpu.memory_space<vmem>>, vector<16xi32>,
      %mul3A_173 = arith.constant 256 : i32
      %mul3A_174 = arith.muli %scan3A_54, %mul3A_173 : i32
      %add3A_175 = arith.constant 128 : i32
      %add3A_176 = arith.addi %mul3A_174, %add3A_175 : i32
      %add3A_177 = arith.constant 16 : i32
      %add3A_178 = arith.addi %add3A_176, %add3A_177 : i32
      %swap3A_179 = arith.index_cast %add3A_178 : i32 to index
      %swap3A_180 = tpu.vector_load %arg6[%swap3A_179] {strides = array<i32>} : memref<14912xi32, #tpu.memory_space<vmem>>, vector<16xi32>,
      tpu.vector_store %arg6[%swap3A_179], %broadcast_in_dim3A_4 {strides = array<i32>} : memref<14912xi32, #tpu.memory_space<vmem>>, vector<16xi32>,
      %mul3A_181 = arith.constant 256 : i32
      %mul3A_182 = arith.muli %scan3A_54, %mul3A_181 : i32
      %add3A_183 = arith.constant 128 : i32
      %add3A_184 = arith.addi %mul3A_182, %add3A_183 : i32
      %swap3A_185 = arith.index_cast %add3A_184 : i32 to index
      %swap3A_186 = tpu.vector_load %arg7[%swap3A_185] {strides = array<i32>} : memref<14912xi32, #tpu.memory_space<vmem>>, vector<16xi32>,
      tpu.vector_store %arg7[%swap3A_185], %broadcast_in_dim3A_4 {strides = array<i32>} : memref<14912xi32, #tpu.memory_space<vmem>>, vector<16xi32>,
      %mul3A_187 = arith.constant 256 : i32
      %mul3A_188 = arith.muli %scan3A_54, %mul3A_187 : i32
      %add3A_189 = arith.constant 128 : i32
      %add3A_190 = arith.addi %mul3A_188, %add3A_189 : i32
      %add3A_191 = arith.constant 16 : i32
      %add3A_192 = arith.addi %add3A_190, %add3A_191 : i32
      %swap3A_193 = arith.index_cast %add3A_192 : i32 to index
      %swap3A_194 = tpu.vector_load %arg7[%swap3A_193] {strides = array<i32>} : memref<14912xi32, #tpu.memory_space<vmem>>, vector<16xi32>,
      tpu.vector_store %arg7[%swap3A_193], %broadcast_in_dim3A_4 {strides = array<i32>} : memref<14912xi32, #tpu.memory_space<vmem>>, vector<16xi32>,
      %mul3A_195 = arith.constant 256 : i32
      %mul3A_196 = arith.muli %scan3A_54, %mul3A_195 : i32
      %add3A_197 = arith.constant 160 : i32
      %add3A_198 = arith.addi %mul3A_196, %add3A_197 : i32
      %swap3A_199 = arith.index_cast %add3A_198 : i32 to index
      %swap3A_200 = tpu.vector_load %arg6[%swap3A_199] {strides = array<i32>} : memref<14912xi32, #tpu.memory_space<vmem>>, vector<16xi32>,
      tpu.vector_store %arg6[%swap3A_199], %broadcast_in_dim3A_4 {strides = array<i32>} : memref<14912xi32, #tpu.memory_space<vmem>>, vector<16xi32>,
      %mul3A_201 = arith.constant 256 : i32
      %mul3A_202 = arith.muli %scan3A_54, %mul3A_201 : i32
      %add3A_203 = arith.constant 160 : i32
      %add3A_204 = arith.addi %mul3A_202, %add3A_203 : i32
      %add3A_205 = arith.constant 16 : i32
      %add3A_206 = arith.addi %add3A_204, %add3A_205 : i32
      %swap3A_207 = arith.index_cast %add3A_206 : i32 to index
      %swap3A_208 = tpu.vector_load %arg6[%swap3A_207] {strides = array<i32>} : memref<14912xi32, #tpu.memory_space<vmem>>, vector<16xi32>,
      tpu.vector_store %arg6[%swap3A_207], %broadcast_in_dim3A_4 {strides = array<i32>} : memref<14912xi32, #tpu.memory_space<vmem>>, vector<16xi32>,
      %mul3A_209 = arith.constant 256 : i32
      %mul3A_210 = arith.muli %scan3A_54, %mul3A_209 : i32
      %add3A_211 = arith.constant 160 : i32
      %add3A_212 = arith.addi %mul3A_210, %add3A_211 : i32
      %swap3A_213 = arith.index_cast %add3A_212 : i32 to index
      %swap3A_214 = tpu.vector_load %arg7[%swap3A_213] {strides = array<i32>} : memref<14912xi32, #tpu.memory_space<vmem>>, vector<16xi32>,
      tpu.vector_store %arg7[%swap3A_213], %broadcast_in_dim3A_4 {strides = array<i32>} : memref<14912xi32, #tpu.memory_space<vmem>>, vector<16xi32>,
      %mul3A_215 = arith.constant 256 : i32
      %mul3A_216 = arith.muli %scan3A_54, %mul3A_215 : i32
      %add3A_217 = arith.constant 160 : i32
      %add3A_218 = arith.addi %mul3A_216, %add3A_217 : i32
      %add3A_219 = arith.constant 16 : i32
      %add3A_220 = arith.addi %add3A_218, %add3A_219 : i32
      %swap3A_221 = arith.index_cast %add3A_220 : i32 to index
      %swap3A_222 = tpu.vector_load %arg7[%swap3A_221] {strides = array<i32>} : memref<14912xi32, #tpu.memory_space<vmem>>, vector<16xi32>,
      tpu.vector_store %arg7[%swap3A_221], %broadcast_in_dim3A_4 {strides = array<i32>} : memref<14912xi32, #tpu.memory_space<vmem>>, vector<16xi32>,
      %mul3A_223 = arith.constant 256 : i32
      %mul3A_224 = arith.muli %scan3A_54, %mul3A_223 : i32
      %add3A_225 = arith.constant 192 : i32
      %add3A_226 = arith.addi %mul3A_224, %add3A_225 : i32
      %swap3A_227 = arith.index_cast %add3A_226 : i32 to index
      %swap3A_228 = tpu.vector_load %arg6[%swap3A_227] {strides = array<i32>} : memref<14912xi32, #tpu.memory_space<vmem>>, vector<16xi32>,
      tpu.vector_store %arg6[%swap3A_227], %broadcast_in_dim3A_4 {strides = array<i32>} : memref<14912xi32, #tpu.memory_space<vmem>>, vector<16xi32>,
      %mul3A_229 = arith.constant 256 : i32
      %mul3A_230 = arith.muli %scan3A_54, %mul3A_229 : i32
      %add3A_231 = arith.constant 192 : i32
      %add3A_232 = arith.addi %mul3A_230, %add3A_231 : i32
      %add3A_233 = arith.constant 16 : i32
      %add3A_234 = arith.addi %add3A_232, %add3A_233 : i32
      %swap3A_235 = arith.index_cast %add3A_234 : i32 to index
      %swap3A_236 = tpu.vector_load %arg6[%swap3A_235] {strides = array<i32>} : memref<14912xi32, #tpu.memory_space<vmem>>, vector<16xi32>,
      tpu.vector_store %arg6[%swap3A_235], %broadcast_in_dim3A_4 {strides = array<i32>} : memref<14912xi32, #tpu.memory_space<vmem>>, vector<16xi32>,
      %mul3A_237 = arith.constant 256 : i32
      %mul3A_238 = arith.muli %scan3A_54, %mul3A_237 : i32
      %add3A_239 = arith.constant 192 : i32
      %add3A_240 = arith.addi %mul3A_238, %add3A_239 : i32
      %swap3A_241 = arith.index_cast %add3A_240 : i32 to index
      %swap3A_242 = tpu.vector_load %arg7[%swap3A_241] {strides = array<i32>} : memref<14912xi32, #tpu.memory_space<vmem>>, vector<16xi32>,
      tpu.vector_store %arg7[%swap3A_241], %broadcast_in_dim3A_4 {strides = array<i32>} : memref<14912xi32, #tpu.memory_space<vmem>>, vector<16xi32>,
      %mul3A_243 = arith.constant 256 : i32
      %mul3A_244 = arith.muli %scan3A_54, %mul3A_243 : i32
      %add3A_245 = arith.constant 192 : i32
      %add3A_246 = arith.addi %mul3A_244, %add3A_245 : i32
      %add3A_247 = arith.constant 16 : i32
      %add3A_248 = arith.addi %add3A_246, %add3A_247 : i32
      %swap3A_249 = arith.index_cast %add3A_248 : i32 to index
      %swap3A_250 = tpu.vector_load %arg7[%swap3A_249] {strides = array<i32>} : memref<14912xi32, #tpu.memory_space<vmem>>, vector<16xi32>,
      tpu.vector_store %arg7[%swap3A_249], %broadcast_in_dim3A_4 {strides = array<i32>} : memref<14912xi32, #tpu.memory_space<vmem>>, vector<16xi32>,
      %mul3A_251 = arith.constant 256 : i32
      %mul3A_252 = arith.muli %scan3A_54, %mul3A_251 : i32
      %add3A_253 = arith.constant 224 : i32
      %add3A_254 = arith.addi %mul3A_252, %add3A_253 : i32
      %swap3A_255 = arith.index_cast %add3A_254 : i32 to index
      %swap3A_256 = tpu.vector_load %arg6[%swap3A_255] {strides = array<i32>} : memref<14912xi32, #tpu.memory_space<vmem>>, vector<16xi32>,
      tpu.vector_store %arg6[%swap3A_255], %broadcast_in_dim3A_4 {strides = array<i32>} : memref<14912xi32, #tpu.memory_space<vmem>>, vector<16xi32>,
      %mul3A_257 = arith.constant 256 : i32
      %mul3A_258 = arith.muli %scan3A_54, %mul3A_257 : i32
      %add3A_259 = arith.constant 224 : i32
      %add3A_260 = arith.addi %mul3A_258, %add3A_259 : i32
      %add3A_261 = arith.constant 16 : i32
      %add3A_262 = arith.addi %add3A_260, %add3A_261 : i32
      %swap3A_263 = arith.index_cast %add3A_262 : i32 to index
      %swap3A_264 = tpu.vector_load %arg6[%swap3A_263] {strides = array<i32>} : memref<14912xi32, #tpu.memory_space<vmem>>, vector<16xi32>,
      tpu.vector_store %arg6[%swap3A_263], %broadcast_in_dim3A_4 {strides = array<i32>} : memref<14912xi32, #tpu.memory_space<vmem>>, vector<16xi32>,
      %mul3A_265 = arith.constant 256 : i32
      %mul3A_266 = arith.muli %scan3A_54, %mul3A_265 : i32
      %add3A_267 = arith.constant 224 : i32
      %add3A_268 = arith.addi %mul3A_266, %add3A_267 : i32
      %swap3A_269 = arith.index_cast %add3A_268 : i32 to index
      %swap3A_270 = tpu.vector_load %arg7[%swap3A_269] {strides = array<i32>} : memref<14912xi32, #tpu.memory_space<vmem>>, vector<16xi32>,
      tpu.vector_store %arg7[%swap3A_269], %broadcast_in_dim3A_4 {strides = array<i32>} : memref<14912xi32, #tpu.memory_space<vmem>>, vector<16xi32>,
      %mul3A_271 = arith.constant 256 : i32
      %mul3A_272 = arith.muli %scan3A_54, %mul3A_271 : i32
      %add3A_273 = arith.constant 224 : i32
      %add3A_274 = arith.addi %mul3A_272, %add3A_273 : i32
      %add3A_275 = arith.constant 16 : i32
      %add3A_276 = arith.addi %add3A_274, %add3A_275 : i32
      %swap3A_277 = arith.index_cast %add3A_276 : i32 to index
      %swap3A_278 = tpu.vector_load %arg7[%swap3A_277] {strides = array<i32>} : memref<14912xi32, #tpu.memory_space<vmem>>, vector<16xi32>,
      tpu.vector_store %arg7[%swap3A_277], %broadcast_in_dim3A_4 {strides = array<i32>} : memref<14912xi32, #tpu.memory_space<vmem>>, vector<16xi32>,
    }
    %scan3A_15 = arith.constant 58 : i32
    %swap3A = arith.constant 14848 : index
    %swap3A_16 = tpu.vector_load %arg6[%swap3A] {strides = array<i32>} : memref<14912xi32, #tpu.memory_space<vmem>>, vector<16xi32>,
    tpu.vector_store %arg6[%swap3A], %broadcast_in_dim3A_4 {strides = array<i32>} : memref<14912xi32, #tpu.memory_space<vmem>>, vector<16xi32>,
    %swap3A_17 = arith.constant 14848 : index
    %swap3A_18 = tpu.vector_load %arg7[%swap3A_17] {strides = array<i32>} : memref<14912xi32, #tpu.memory_space<vmem>>, vector<16xi32>,
    tpu.vector_store %arg7[%swap3A_17], %broadcast_in_dim3A_4 {strides = array<i32>} : memref<14912xi32, #tpu.memory_space<vmem>>, vector<16xi32>,
    %swap3A_19 = arith.constant 14864 : index
    %swap3A_20 = tpu.vector_load %arg6[%swap3A_19] {strides = array<i32>} : memref<14912xi32, #tpu.memory_space<vmem>>, vector<16xi32>,
    tpu.vector_store %arg6[%swap3A_19], %broadcast_in_dim3A_4 {strides = array<i32>} : memref<14912xi32, #tpu.memory_space<vmem>>, vector<16xi32>,
    %swap3A_21 = arith.constant 14864 : index
    %swap3A_22 = tpu.vector_load %arg7[%swap3A_21] {strides = array<i32>} : memref<14912xi32, #tpu.memory_space<vmem>>, vector<16xi32>,
    tpu.vector_store %arg7[%swap3A_21], %broadcast_in_dim3A_4 {strides = array<i32>} : memref<14912xi32, #tpu.memory_space<vmem>>, vector<16xi32>,
    %swap3A_23 = arith.constant 14880 : index
    %swap3A_24 = tpu.vector_load %arg6[%swap3A_23] {strides = array<i32>} : memref<14912xi32, #tpu.memory_space<vmem>>, vector<16xi32>,
    tpu.vector_store %arg6[%swap3A_23], %broadcast_in_dim3A_4 {strides = array<i32>} : memref<14912xi32, #tpu.memory_space<vmem>>, vector<16xi32>,
    %swap3A_25 = arith.constant 14880 : index
    %swap3A_26 = tpu.vector_load %arg7[%swap3A_25] {strides = array<i32>} : memref<14912xi32, #tpu.memory_space<vmem>>, vector<16xi32>,
    tpu.vector_store %arg7[%swap3A_25], %broadcast_in_dim3A_4 {strides = array<i32>} : memref<14912xi32, #tpu.memory_space<vmem>>, vector<16xi32>,
    %swap3A_27 = arith.constant 14896 : index
    %swap3A_28 = tpu.vector_load %arg6[%swap3A_27] {strides = array<i32>} : memref<14912xi32, #tpu.memory_space<vmem>>, vector<16xi32>,
    tpu.vector_store %arg6[%swap3A_27], %broadcast_in_dim3A_4 {strides = array<i32>} : memref<14912xi32, #tpu.memory_space<vmem>>, vector<16xi32>,
    %swap3A_29 = arith.constant 14896 : index
    %swap3A_30 = tpu.vector_load %arg7[%swap3A_29] {strides = array<i32>} : memref<14912xi32, #tpu.memory_space<vmem>>, vector<16xi32>,
    tpu.vector_store %arg7[%swap3A_29], %broadcast_in_dim3A_4 {strides = array<i32>} : memref<14912xi32, #tpu.memory_space<vmem>>, vector<16xi32>,
    %dma_wait3A = tpu.memref_slice %arg2[%mul3A_2] : memref<2097152xi32, #tpu.memory_space<hbm>> -> memref<65536xi32, #tpu.memory_space<hbm>>
    %dma_wait3A_31 = tpu.memref_slice %arg2[%mul3A_2] : memref<2097152xi32, #tpu.memory_space<hbm>> -> memref<65536xi32, #tpu.memory_space<hbm>>
    tpu.wait_dma2 semaphore(%arg10 : memref<!tpu.dma_semaphore, #tpu.memory_space<semaphore_mem>>) src(%dma_wait3A_31 : memref<65536xi32, #tpu.memory_space<hbm>>) dst(%arg5 : memref<65536xi32, #tpu.memory_space<vmem>>)
    %iota3A = tpu.iota {dimensions = array<i32: 0>} : vector<16xi32>
    %shift_right_arithmetic3A = arith.constant 2 : i32
    %shift_right_arithmetic3A_32 = vector.broadcast %shift_right_arithmetic3A : i32 to vector<16xi32>
    %shift_right_arithmetic3A_33 = arith.shrsi %iota3A, %shift_right_arithmetic3A_32 : vector<16xi32>
    %mul3A_34 = arith.constant 3728 : i32
    %mul3A_35 = vector.broadcast %mul3A_34 : i32 to vector<16xi32>
    %mul3A_36 = arith.muli %shift_right_arithmetic3A_33, %mul3A_35 : vector<16xi32>
    %add3A_37 = arith.constant 102 : i32
    %add3A_38 = vector.broadcast %add3A_37 : i32 to vector<16xi32>
    %add3A_39 = arith.addi %mul3A_36, %add3A_38 : vector<16xi32>
    %add3A_40 = arith.constant 576 : i32
    %add3A_41 = vector.broadcast %add3A_40 : i32 to vector<16xi32>
    %add3A_42 = arith.addi %mul3A_36, %add3A_41 : vector<16xi32>
    %add3A_43 = arith.constant 3352 : i32
    %add3A_44 = vector.broadcast %add3A_43 : i32 to vector<16xi32>
    %add3A_45 = arith.addi %mul3A_36, %add3A_44 : vector<16xi32>
    %scan3A_46 = arith.constant 0 : i32
    %scan3A_47 = arith.constant 128 : i32
    %scan3A_48 = arith.addi %scan3A_46, %scan3A_47 : i32
    %scan3A_49 = arith.constant 1 : i32
    %scan3A_50 = scf.for %scan3A_54 = %scan3A_46 to %scan3A_48 step %scan3A_49 iter_args(%scan3A_55 = %broadcast_in_dim3A_6) -> (vector<16xf32>)  : i32 {
      %shift_right_arithmetic3A_56 = arith.constant 6 : i32
      %shift_right_arithmetic3A_57 = arith.shrsi %scan3A_54, %shift_right_arithmetic3A_56 : i32
      %mul3A_58 = arith.constant 32768 : i32
      %mul3A_59 = arith.muli %shift_right_arithmetic3A_57, %mul3A_58 : i32
      %shift_right_arithmetic3A_60 = arith.constant 3 : i32
      %shift_right_arithmetic3A_61 = arith.shrsi %scan3A_54, %shift_right_arithmetic3A_60 : i32
      %and3A = arith.constant 7 : i32
      %and3A_62 = arith.andi %shift_right_arithmetic3A_61, %and3A : i32
      %mul3A_63 = arith.constant 4096 : i32
      %mul3A_64 = arith.muli %and3A_62, %mul3A_63 : i32
      %add3A_65 = arith.addi %mul3A_59, %mul3A_64 : i32
      %and3A_66 = arith.constant 7 : i32
      %and3A_67 = arith.andi %scan3A_54, %and3A_66 : i32
      %mul3A_68 = arith.constant 128 : i32
      %mul3A_69 = arith.muli %and3A_67, %mul3A_68 : i32
      %add3A_70 = arith.addi %add3A_65, %mul3A_69 : i32
      %add3A_71 = arith.constant 0 : i32
      %add3A_72 = arith.addi %add3A_70, %add3A_71 : i32
      %add3A_73 = arith.constant 0 : i32
      %add3A_74 = arith.addi %add3A_72, %add3A_73 : i32
      %add3A_75 = arith.constant 0 : i32
      %add3A_76 = arith.addi %add3A_70, %add3A_75 : i32
      %add3A_77 = arith.constant 32 : i32
      %add3A_78 = arith.addi %add3A_76, %add3A_77 : i32
      %add3A_79 = arith.constant 0 : i32
      %add3A_80 = arith.addi %add3A_70, %add3A_79 : i32
      %add3A_81 = arith.constant 64 : i32
      %add3A_82 = arith.addi %add3A_80, %add3A_81 : i32
      %add3A_83 = arith.constant 0 : i32
      %add3A_84 = arith.addi %add3A_70, %add3A_83 : i32
      %add3A_85 = arith.constant 96 : i32
      %add3A_86 = arith.addi %add3A_84, %add3A_85 : i32
      %add3A_87 = arith.constant 1024 : i32
      %add3A_88 = arith.addi %add3A_70, %add3A_87 : i32
      %add3A_89 = arith.constant 0 : i32
      %add3A_90 = arith.addi %add3A_88, %add3A_89 : i32
      %add3A_91 = arith.constant 1024 : i32
      %add3A_92 = arith.addi %add3A_70, %add3A_91 : i32
      %add3A_93 = arith.constant 32 : i32
      %add3A_94 = arith.addi %add3A_92, %add3A_93 : i32
      %add3A_95 = arith.constant 1024 : i32
      %add3A_96 = arith.addi %add3A_70, %add3A_95 : i32
      %add3A_97 = arith.constant 64 : i32
      %add3A_98 = arith.addi %add3A_96, %add3A_97 : i32
      %add3A_99 = arith.constant 1024 : i32
      %add3A_100 = arith.addi %add3A_70, %add3A_99 : i32
      %add3A_101 = arith.constant 96 : i32
      %add3A_102 = arith.addi %add3A_100, %add3A_101 : i32
      %add3A_103 = arith.constant 2048 : i32
      %add3A_104 = arith.addi %add3A_70, %add3A_103 : i32
      %add3A_105 = arith.constant 0 : i32
      %add3A_106 = arith.addi %add3A_104, %add3A_105 : i32
      %add3A_107 = arith.constant 2048 : i32
      %add3A_108 = arith.addi %add3A_70, %add3A_107 : i32
      %add3A_109 = arith.constant 32 : i32
      %add3A_110 = arith.addi %add3A_108, %add3A_109 : i32
      %add3A_111 = arith.constant 2048 : i32
      %add3A_112 = arith.addi %add3A_70, %add3A_111 : i32
      %add3A_113 = arith.constant 64 : i32
      %add3A_114 = arith.addi %add3A_112, %add3A_113 : i32
      %add3A_115 = arith.constant 2048 : i32
      %add3A_116 = arith.addi %add3A_70, %add3A_115 : i32
      %add3A_117 = arith.constant 96 : i32
      %add3A_118 = arith.addi %add3A_116, %add3A_117 : i32
      %add3A_119 = arith.constant 3072 : i32
      %add3A_120 = arith.addi %add3A_70, %add3A_119 : i32
      %add3A_121 = arith.constant 0 : i32
      %add3A_122 = arith.addi %add3A_120, %add3A_121 : i32
      %add3A_123 = arith.constant 3072 : i32
      %add3A_124 = arith.addi %add3A_70, %add3A_123 : i32
      %add3A_125 = arith.constant 32 : i32
      %add3A_126 = arith.addi %add3A_124, %add3A_125 : i32
      %add3A_127 = arith.constant 3072 : i32
      %add3A_128 = arith.addi %add3A_70, %add3A_127 : i32
      %add3A_129 = arith.constant 64 : i32
      %add3A_130 = arith.addi %add3A_128, %add3A_129 : i32
      %add3A_131 = arith.constant 3072 : i32
      %add3A_132 = arith.addi %add3A_70, %add3A_131 : i32
      %add3A_133 = arith.constant 96 : i32
      %add3A_134 = arith.addi %add3A_132, %add3A_133 : i32
      %add3A_135 = arith.constant 0 : i32
      %add3A_136 = arith.addi %add3A_74, %add3A_135 : i32
      %get3A = arith.index_cast %add3A_136 : i32 to index
      %get3A_137 = tpu.vector_load %arg5[%get3A] {strides = array<i32>} : memref<65536xi32, #tpu.memory_space<vmem>>, vector<16xi32>,
      %add3A_138 = arith.addi %get3A_137, %mul3A_36 : vector<16xi32>
      %add3A_139 = arith.constant 0 : i32
      %add3A_140 = arith.addi %add3A_78, %add3A_139 : i32
      %get3A_141 = arith.index_cast %add3A_140 : i32 to index
      %get3A_142 = tpu.vector_load %arg5[%get3A_141] {strides = array<i32>} : memref<65536xi32, #tpu.memory_space<vmem>>, vector<16xi32>,
      %add3A_143 = arith.addi %get3A_142, %mul3A_36 : vector<16xi32>
      %add3A_144 = arith.constant 0 : i32
      %add3A_145 = arith.addi %add3A_82, %add3A_144 : i32
      %get3A_146 = arith.index_cast %add3A_145 : i32 to index
      %get3A_147 = tpu.vector_load %arg5[%get3A_146] {strides = array<i32>} : memref<65536xi32, #tpu.memory_space<vmem>>, vector<16xi32>,
      %add3A_148 = arith.addi %get3A_147, %mul3A_36 : vector<16xi32>
      %add3A_149 = arith.constant 0 : i32
      %add3A_150 = arith.addi %add3A_86, %add3A_149 : i32
      %get3A_151 = arith.index_cast %add3A_150 : i32 to index
      %get3A_152 = tpu.vector_load %arg5[%get3A_151] {strides = array<i32>} : memref<65536xi32, #tpu.memory_space<vmem>>, vector<16xi32>,
      %add3A_153 = arith.addi %get3A_152, %mul3A_36 : vector<16xi32>
      %add3A_154 = arith.constant 0 : i32
      %add3A_155 = arith.addi %add3A_90, %add3A_154 : i32
      %get3A_156 = arith.index_cast %add3A_155 : i32 to index
      %get3A_157 = tpu.vector_load %arg5[%get3A_156] {strides = array<i32>} : memref<65536xi32, #tpu.memory_space<vmem>>, vector<16xi32>,
      %add3A_158 = arith.addi %get3A_157, %mul3A_36 : vector<16xi32>
      %add3A_159 = arith.constant 0 : i32
      %add3A_160 = arith.addi %add3A_94, %add3A_159 : i32
      %get3A_161 = arith.index_cast %add3A_160 : i32 to index
      %get3A_162 = tpu.vector_load %arg5[%get3A_161] {strides = array<i32>} : memref<65536xi32, #tpu.memory_space<vmem>>, vector<16xi32>,
      %add3A_163 = arith.addi %get3A_162, %mul3A_36 : vector<16xi32>
      %add3A_164 = arith.constant 0 : i32
      %add3A_165 = arith.addi %add3A_98, %add3A_164 : i32
      %get3A_166 = arith.index_cast %add3A_165 : i32 to index
      %get3A_167 = tpu.vector_load %arg5[%get3A_166] {strides = array<i32>} : memref<65536xi32, #tpu.memory_space<vmem>>, vector<16xi32>,
      %add3A_168 = arith.addi %get3A_167, %mul3A_36 : vector<16xi32>
      %add3A_169 = arith.constant 0 : i32
      %add3A_170 = arith.addi %add3A_102, %add3A_169 : i32
      %get3A_171 = arith.index_cast %add3A_170 : i32 to index
      %get3A_172 = tpu.vector_load %arg5[%get3A_171] {strides = array<i32>} : memref<65536xi32, #tpu.memory_space<vmem>>, vector<16xi32>,
      %add3A_173 = arith.addi %get3A_172, %mul3A_36 : vector<16xi32>
      %add3A_174 = arith.constant 0 : i32
      %add3A_175 = arith.addi %add3A_106, %add3A_174 : i32
      %get3A_176 = arith.index_cast %add3A_175 : i32 to index
      %get3A_177 = tpu.vector_load %arg5[%get3A_176] {strides = array<i32>} : memref<65536xi32, #tpu.memory_space<vmem>>, vector<16xi32>,
      %add3A_178 = arith.addi %get3A_177, %mul3A_36 : vector<16xi32>
      %add3A_179 = arith.constant 0 : i32
      %add3A_180 = arith.addi %add3A_110, %add3A_179 : i32
      %get3A_181 = arith.index_cast %add3A_180 : i32 to index
      %get3A_182 = tpu.vector_load %arg5[%get3A_181] {strides = array<i32>} : memref<65536xi32, #tpu.memory_space<vmem>>, vector<16xi32>,
      %add3A_183 = arith.addi %get3A_182, %mul3A_36 : vector<16xi32>
      %add3A_184 = arith.constant 0 : i32
      %add3A_185 = arith.addi %add3A_114, %add3A_184 : i32
      %get3A_186 = arith.index_cast %add3A_185 : i32 to index
      %get3A_187 = tpu.vector_load %arg5[%get3A_186] {strides = array<i32>} : memref<65536xi32, #tpu.memory_space<vmem>>, vector<16xi32>,
      %add3A_188 = arith.addi %get3A_187, %mul3A_36 : vector<16xi32>
      %add3A_189 = arith.constant 0 : i32
      %add3A_190 = arith.addi %add3A_118, %add3A_189 : i32
      %get3A_191 = arith.index_cast %add3A_190 : i32 to index
      %get3A_192 = tpu.vector_load %arg5[%get3A_191] {strides = array<i32>} : memref<65536xi32, #tpu.memory_space<vmem>>, vector<16xi32>,
      %add3A_193 = arith.addi %get3A_192, %mul3A_36 : vector<16xi32>
      %add3A_194 = arith.constant 0 : i32
      %add3A_195 = arith.addi %add3A_122, %add3A_194 : i32
      %get3A_196 = arith.index_cast %add3A_195 : i32 to index
      %get3A_197 = tpu.vector_load %arg5[%get3A_196] {strides = array<i32>} : memref<65536xi32, #tpu.memory_space<vmem>>, vector<16xi32>,
      %add3A_198 = arith.addi %get3A_197, %mul3A_36 : vector<16xi32>
      %add3A_199 = arith.constant 0 : i32
      %add3A_200 = arith.addi %add3A_126, %add3A_199 : i32
      %get3A_201 = arith.index_cast %add3A_200 : i32 to index
      %get3A_202 = tpu.vector_load %arg5[%get3A_201] {strides = array<i32>} : memref<65536xi32, #tpu.memory_space<vmem>>, vector<16xi32>,
      %add3A_203 = arith.addi %get3A_202, %mul3A_36 : vector<16xi32>
      %add3A_204 = arith.constant 0 : i32
      %add3A_205 = arith.addi %add3A_130, %add3A_204 : i32
      %get3A_206 = arith.index_cast %add3A_205 : i32 to index
      %get3A_207 = tpu.vector_load %arg5[%get3A_206] {strides = array<i32>} : memref<65536xi32, #tpu.memory_space<vmem>>, vector<16xi32>,
      %add3A_208 = arith.addi %get3A_207, %mul3A_36 : vector<16xi32>
      %add3A_209 = arith.constant 0 : i32
      %add3A_210 = arith.addi %add3A_134, %add3A_209 : i32
      %get3A_211 = arith.index_cast %add3A_210 : i32 to index
      %get3A_212 = tpu.vector_load %arg5[%get3A_211] {strides = array<i32>} : memref<65536xi32, #tpu.memory_space<vmem>>, vector<16xi32>,
      %add3A_213 = arith.addi %get3A_212, %mul3A_36 : vector<16xi32>
      tpu.vector_store_idx %arg6[%add3A_138], %broadcast_in_dim3A_8 {add = true} : memref<14912xi32, #tpu.memory_space<vmem>>[vector<16xi32>], vector<16xi32>,
      tpu.vector_store_idx %arg6[%add3A_143], %broadcast_in_dim3A_8 {add = true} : memref<14912xi32, #tpu.memory_space<vmem>>[vector<16xi32>], vector<16xi32>,
      tpu.vector_store_idx %arg6[%add3A_148], %broadcast_in_dim3A_8 {add = true} : memref<14912xi32, #tpu.memory_space<vmem>>[vector<16xi32>], vector<16xi32>,
      tpu.vector_store_idx %arg6[%add3A_153], %broadcast_in_dim3A_8 {add = true} : memref<14912xi32, #tpu.memory_space<vmem>>[vector<16xi32>], vector<16xi32>,
      tpu.vector_store_idx %arg6[%add3A_158], %broadcast_in_dim3A_8 {add = true} : memref<14912xi32, #tpu.memory_space<vmem>>[vector<16xi32>], vector<16xi32>,
      tpu.vector_store_idx %arg6[%add3A_163], %broadcast_in_dim3A_8 {add = true} : memref<14912xi32, #tpu.memory_space<vmem>>[vector<16xi32>], vector<16xi32>,
      tpu.vector_store_idx %arg6[%add3A_168], %broadcast_in_dim3A_8 {add = true} : memref<14912xi32, #tpu.memory_space<vmem>>[vector<16xi32>], vector<16xi32>,
      tpu.vector_store_idx %arg6[%add3A_173], %broadcast_in_dim3A_8 {add = true} : memref<14912xi32, #tpu.memory_space<vmem>>[vector<16xi32>], vector<16xi32>,
      tpu.vector_store_idx %arg6[%add3A_178], %broadcast_in_dim3A_8 {add = true} : memref<14912xi32, #tpu.memory_space<vmem>>[vector<16xi32>], vector<16xi32>,
      tpu.vector_store_idx %arg6[%add3A_183], %broadcast_in_dim3A_8 {add = true} : memref<14912xi32, #tpu.memory_space<vmem>>[vector<16xi32>], vector<16xi32>,
      tpu.vector_store_idx %arg6[%add3A_188], %broadcast_in_dim3A_8 {add = true} : memref<14912xi32, #tpu.memory_space<vmem>>[vector<16xi32>], vector<16xi32>,
      tpu.vector_store_idx %arg6[%add3A_193], %broadcast_in_dim3A_8 {add = true} : memref<14912xi32, #tpu.memory_space<vmem>>[vector<16xi32>], vector<16xi32>,
      tpu.vector_store_idx %arg6[%add3A_198], %broadcast_in_dim3A_8 {add = true} : memref<14912xi32, #tpu.memory_space<vmem>>[vector<16xi32>], vector<16xi32>,
      tpu.vector_store_idx %arg6[%add3A_203], %broadcast_in_dim3A_8 {add = true} : memref<14912xi32, #tpu.memory_space<vmem>>[vector<16xi32>], vector<16xi32>,
      tpu.vector_store_idx %arg6[%add3A_208], %broadcast_in_dim3A_8 {add = true} : memref<14912xi32, #tpu.memory_space<vmem>>[vector<16xi32>], vector<16xi32>,
      tpu.vector_store_idx %arg6[%add3A_213], %broadcast_in_dim3A_8 {add = true} : memref<14912xi32, #tpu.memory_space<vmem>>[vector<16xi32>], vector<16xi32>,
      %add3A_214 = arith.constant 16 : i32
      %add3A_215 = arith.addi %add3A_74, %add3A_214 : i32
      %get3A_216 = arith.index_cast %add3A_215 : i32 to index
      %get3A_217 = tpu.vector_load %arg5[%get3A_216] {strides = array<i32>} : memref<65536xi32, #tpu.memory_space<vmem>>, vector<16xi32>,
      %add3A_218 = arith.addi %get3A_217, %mul3A_36 : vector<16xi32>
      %add3A_219 = arith.constant 16 : i32
      %add3A_220 = arith.addi %add3A_78, %add3A_219 : i32
      %get3A_221 = arith.index_cast %add3A_220 : i32 to index
      %get3A_222 = tpu.vector_load %arg5[%get3A_221] {strides = array<i32>} : memref<65536xi32, #tpu.memory_space<vmem>>, vector<16xi32>,
      %add3A_223 = arith.addi %get3A_222, %mul3A_36 : vector<16xi32>
      %add3A_224 = arith.constant 16 : i32
      %add3A_225 = arith.addi %add3A_82, %add3A_224 : i32
      %get3A_226 = arith.index_cast %add3A_225 : i32 to index
      %get3A_227 = tpu.vector_load %arg5[%get3A_226] {strides = array<i32>} : memref<65536xi32, #tpu.memory_space<vmem>>, vector<16xi32>,
      %add3A_228 = arith.addi %get3A_227, %mul3A_36 : vector<16xi32>
      %add3A_229 = arith.constant 16 : i32
      %add3A_230 = arith.addi %add3A_86, %add3A_229 : i32
      %get3A_231 = arith.index_cast %add3A_230 : i32 to index
      %get3A_232 = tpu.vector_load %arg5[%get3A_231] {strides = array<i32>} : memref<65536xi32, #tpu.memory_space<vmem>>, vector<16xi32>,
      %add3A_233 = arith.addi %get3A_232, %mul3A_36 : vector<16xi32>
      %add3A_234 = arith.constant 16 : i32
      %add3A_235 = arith.addi %add3A_90, %add3A_234 : i32
      %get3A_236 = arith.index_cast %add3A_235 : i32 to index
      %get3A_237 = tpu.vector_load %arg5[%get3A_236] {strides = array<i32>} : memref<65536xi32, #tpu.memory_space<vmem>>, vector<16xi32>,
      %add3A_238 = arith.addi %get3A_237, %mul3A_36 : vector<16xi32>
      %add3A_239 = arith.constant 16 : i32
      %add3A_240 = arith.addi %add3A_94, %add3A_239 : i32
      %get3A_241 = arith.index_cast %add3A_240 : i32 to index
      %get3A_242 = tpu.vector_load %arg5[%get3A_241] {strides = array<i32>} : memref<65536xi32, #tpu.memory_space<vmem>>, vector<16xi32>,
      %add3A_243 = arith.addi %get3A_242, %mul3A_36 : vector<16xi32>
      %add3A_244 = arith.constant 16 : i32
      %add3A_245 = arith.addi %add3A_98, %add3A_244 : i32
      %get3A_246 = arith.index_cast %add3A_245 : i32 to index
      %get3A_247 = tpu.vector_load %arg5[%get3A_246] {strides = array<i32>} : memref<65536xi32, #tpu.memory_space<vmem>>, vector<16xi32>,
      %add3A_248 = arith.addi %get3A_247, %mul3A_36 : vector<16xi32>
      %add3A_249 = arith.constant 16 : i32
      %add3A_250 = arith.addi %add3A_102, %add3A_249 : i32
      %get3A_251 = arith.index_cast %add3A_250 : i32 to index
      %get3A_252 = tpu.vector_load %arg5[%get3A_251] {strides = array<i32>} : memref<65536xi32, #tpu.memory_space<vmem>>, vector<16xi32>,
      %add3A_253 = arith.addi %get3A_252, %mul3A_36 : vector<16xi32>
      %add3A_254 = arith.constant 16 : i32
      %add3A_255 = arith.addi %add3A_106, %add3A_254 : i32
      %get3A_256 = arith.index_cast %add3A_255 : i32 to index
      %get3A_257 = tpu.vector_load %arg5[%get3A_256] {strides = array<i32>} : memref<65536xi32, #tpu.memory_space<vmem>>, vector<16xi32>,
      %add3A_258 = arith.addi %get3A_257, %mul3A_36 : vector<16xi32>
      %add3A_259 = arith.constant 16 : i32
      %add3A_260 = arith.addi %add3A_110, %add3A_259 : i32
      %get3A_261 = arith.index_cast %add3A_260 : i32 to index
      %get3A_262 = tpu.vector_load %arg5[%get3A_261] {strides = array<i32>} : memref<65536xi32, #tpu.memory_space<vmem>>, vector<16xi32>,
      %add3A_263 = arith.addi %get3A_262, %mul3A_36 : vector<16xi32>
      %add3A_264 = arith.constant 16 : i32
      %add3A_265 = arith.addi %add3A_114, %add3A_264 : i32
      %get3A_266 = arith.index_cast %add3A_265 : i32 to index
      %get3A_267 = tpu.vector_load %arg5[%get3A_266] {strides = array<i32>} : memref<65536xi32, #tpu.memory_space<vmem>>, vector<16xi32>,
      %add3A_268 = arith.addi %get3A_267, %mul3A_36 : vector<16xi32>
      %add3A_269 = arith.constant 16 : i32
      %add3A_270 = arith.addi %add3A_118, %add3A_269 : i32
      %get3A_271 = arith.index_cast %add3A_270 : i32 to index
      %get3A_272 = tpu.vector_load %arg5[%get3A_271] {strides = array<i32>} : memref<65536xi32, #tpu.memory_space<vmem>>, vector<16xi32>,
      %add3A_273 = arith.addi %get3A_272, %mul3A_36 : vector<16xi32>
      %add3A_274 = arith.constant 16 : i32
      %add3A_275 = arith.addi %add3A_122, %add3A_274 : i32
      %get3A_276 = arith.index_cast %add3A_275 : i32 to index
      %get3A_277 = tpu.vector_load %arg5[%get3A_276] {strides = array<i32>} : memref<65536xi32, #tpu.memory_space<vmem>>, vector<16xi32>,
      %add3A_278 = arith.addi %get3A_277, %mul3A_36 : vector<16xi32>
      %add3A_279 = arith.constant 16 : i32
      %add3A_280 = arith.addi %add3A_126, %add3A_279 : i32
      %get3A_281 = arith.index_cast %add3A_280 : i32 to index
      %get3A_282 = tpu.vector_load %arg5[%get3A_281] {strides = array<i32>} : memref<65536xi32, #tpu.memory_space<vmem>>, vector<16xi32>,
      %add3A_283 = arith.addi %get3A_282, %mul3A_36 : vector<16xi32>
      %add3A_284 = arith.constant 16 : i32
      %add3A_285 = arith.addi %add3A_130, %add3A_284 : i32
      %get3A_286 = arith.index_cast %add3A_285 : i32 to index
      %get3A_287 = tpu.vector_load %arg5[%get3A_286] {strides = array<i32>} : memref<65536xi32, #tpu.memory_space<vmem>>, vector<16xi32>,
      %add3A_288 = arith.addi %get3A_287, %mul3A_36 : vector<16xi32>
      %add3A_289 = arith.constant 16 : i32
      %add3A_290 = arith.addi %add3A_134, %add3A_289 : i32
      %get3A_291 = arith.index_cast %add3A_290 : i32 to index
      %get3A_292 = tpu.vector_load %arg5[%get3A_291] {strides = array<i32>} : memref<65536xi32, #tpu.memory_space<vmem>>, vector<16xi32>,
      %add3A_293 = arith.addi %get3A_292, %mul3A_36 : vector<16xi32>
      tpu.vector_store_idx %arg7[%add3A_218], %broadcast_in_dim3A_8 {add = true} : memref<14912xi32, #tpu.memory_space<vmem>>[vector<16xi32>], vector<16xi32>,
      tpu.vector_store_idx %arg7[%add3A_223], %broadcast_in_dim3A_8 {add = true} : memref<14912xi32, #tpu.memory_space<vmem>>[vector<16xi32>], vector<16xi32>,
      tpu.vector_store_idx %arg7[%add3A_228], %broadcast_in_dim3A_8 {add = true} : memref<14912xi32, #tpu.memory_space<vmem>>[vector<16xi32>], vector<16xi32>,
      tpu.vector_store_idx %arg7[%add3A_233], %broadcast_in_dim3A_8 {add = true} : memref<14912xi32, #tpu.memory_space<vmem>>[vector<16xi32>], vector<16xi32>,
      tpu.vector_store_idx %arg7[%add3A_238], %broadcast_in_dim3A_8 {add = true} : memref<14912xi32, #tpu.memory_space<vmem>>[vector<16xi32>], vector<16xi32>,
      tpu.vector_store_idx %arg7[%add3A_243], %broadcast_in_dim3A_8 {add = true} : memref<14912xi32, #tpu.memory_space<vmem>>[vector<16xi32>], vector<16xi32>,
      tpu.vector_store_idx %arg7[%add3A_248], %broadcast_in_dim3A_8 {add = true} : memref<14912xi32, #tpu.memory_space<vmem>>[vector<16xi32>], vector<16xi32>,
      tpu.vector_store_idx %arg7[%add3A_253], %broadcast_in_dim3A_8 {add = true} : memref<14912xi32, #tpu.memory_space<vmem>>[vector<16xi32>], vector<16xi32>,
      tpu.vector_store_idx %arg7[%add3A_258], %broadcast_in_dim3A_8 {add = true} : memref<14912xi32, #tpu.memory_space<vmem>>[vector<16xi32>], vector<16xi32>,
      tpu.vector_store_idx %arg7[%add3A_263], %broadcast_in_dim3A_8 {add = true} : memref<14912xi32, #tpu.memory_space<vmem>>[vector<16xi32>], vector<16xi32>,
      tpu.vector_store_idx %arg7[%add3A_268], %broadcast_in_dim3A_8 {add = true} : memref<14912xi32, #tpu.memory_space<vmem>>[vector<16xi32>], vector<16xi32>,
      tpu.vector_store_idx %arg7[%add3A_273], %broadcast_in_dim3A_8 {add = true} : memref<14912xi32, #tpu.memory_space<vmem>>[vector<16xi32>], vector<16xi32>,
      tpu.vector_store_idx %arg7[%add3A_278], %broadcast_in_dim3A_8 {add = true} : memref<14912xi32, #tpu.memory_space<vmem>>[vector<16xi32>], vector<16xi32>,
      tpu.vector_store_idx %arg7[%add3A_283], %broadcast_in_dim3A_8 {add = true} : memref<14912xi32, #tpu.memory_space<vmem>>[vector<16xi32>], vector<16xi32>,
      tpu.vector_store_idx %arg7[%add3A_288], %broadcast_in_dim3A_8 {add = true} : memref<14912xi32, #tpu.memory_space<vmem>>[vector<16xi32>], vector<16xi32>,
      tpu.vector_store_idx %arg7[%add3A_293], %broadcast_in_dim3A_8 {add = true} : memref<14912xi32, #tpu.memory_space<vmem>>[vector<16xi32>], vector<16xi32>,
      %gather3A = tpu.vector_load_idx %arg6[%add3A_39] : memref<14912xi32, #tpu.memory_space<vmem>>[vector<16xi32>], vector<16xi32>,
      %gather3A_294 = tpu.vector_load_idx %arg6[%add3A_42] : memref<14912xi32, #tpu.memory_space<vmem>>[vector<16xi32>], vector<16xi32>,
      %gather3A_295 = tpu.vector_load_idx %arg6[%add3A_45] : memref<14912xi32, #tpu.memory_space<vmem>>[vector<16xi32>], vector<16xi32>,
      %add3A_296 = arith.addi %gather3A, %gather3A_294 : vector<16xi32>
      %add3A_297 = arith.addi %add3A_296, %gather3A_295 : vector<16xi32>
      %sub3A = arith.subi %broadcast_in_dim3A_10, %add3A_297 : vector<16xi32>
      %gather3A_298 = tpu.vector_load_idx %arg8[%sub3A] : memref<80xf32, #tpu.memory_space<vmem>>[vector<16xi32>], vector<16xf32>,
      %convert_element_type3A = arith.sitofp %sub3A : vector<16xi32> to vector<16xf32>
      %max3A = arith.constant 1.000000e+00 : f32
      %max3A_299 = vector.broadcast %max3A : f32 to vector<16xf32>
      %max3A_300 = arith.maximumf %convert_element_type3A, %max3A_299 : vector<16xf32>
      %div3A = arith.constant 1.000000e+00 : f32
      %div3A_301 = vector.broadcast %div3A : f32 to vector<16xf32>
      %div3A_302 = arith.divf %div3A_301, %max3A_300 : vector<16xf32>
      %gather3A_303 = tpu.vector_load_idx %arg8[%gather3A] : memref<80xf32, #tpu.memory_space<vmem>>[vector<16xi32>], vector<16xf32>,
      %convert_element_type3A_304 = arith.sitofp %gather3A : vector<16xi32> to vector<16xf32>
      %sub3A_305 = arith.subf %gather3A_298, %gather3A_303 : vector<16xf32>
      %mul3A_306 = arith.mulf %convert_element_type3A_304, %sub3A_305 : vector<16xf32>
      %add3A_307 = arith.addf %broadcast_in_dim3A_6, %mul3A_306 : vector<16xf32>
      %gather3A_308 = tpu.vector_load_idx %arg8[%gather3A_294] : memref<80xf32, #tpu.memory_space<vmem>>[vector<16xi32>], vector<16xf32>,
      %convert_element_type3A_309 = arith.sitofp %gather3A_294 : vector<16xi32> to vector<16xf32>
      %sub3A_310 = arith.subf %gather3A_298, %gather3A_308 : vector<16xf32>
      %mul3A_311 = arith.mulf %convert_element_type3A_309, %sub3A_310 : vector<16xf32>
      %add3A_312 = arith.addf %add3A_307, %mul3A_311 : vector<16xf32>
      %gather3A_313 = tpu.vector_load_idx %arg8[%gather3A_295] : memref<80xf32, #tpu.memory_space<vmem>>[vector<16xi32>], vector<16xf32>,
      %convert_element_type3A_314 = arith.sitofp %gather3A_295 : vector<16xi32> to vector<16xf32>
      %sub3A_315 = arith.subf %gather3A_298, %gather3A_313 : vector<16xf32>
      %mul3A_316 = arith.mulf %convert_element_type3A_314, %sub3A_315 : vector<16xf32>
      %add3A_317 = arith.addf %add3A_312, %mul3A_316 : vector<16xf32>
      %gather3A_318 = tpu.vector_load_idx %arg6[%add3A_138] : memref<14912xi32, #tpu.memory_space<vmem>>[vector<16xi32>], vector<16xi32>,
      %gather3A_319 = tpu.vector_load_idx %arg8[%gather3A_318] : memref<80xf32, #tpu.memory_space<vmem>>[vector<16xi32>], vector<16xf32>,
      %gather3A_320 = tpu.vector_load_idx %arg6[%add3A_143] : memref<14912xi32, #tpu.memory_space<vmem>>[vector<16xi32>], vector<16xi32>,
      %gather3A_321 = tpu.vector_load_idx %arg8[%gather3A_320] : memref<80xf32, #tpu.memory_space<vmem>>[vector<16xi32>], vector<16xf32>,
      %gather3A_322 = tpu.vector_load_idx %arg6[%add3A_148] : memref<14912xi32, #tpu.memory_space<vmem>>[vector<16xi32>], vector<16xi32>,
      %gather3A_323 = tpu.vector_load_idx %arg8[%gather3A_322] : memref<80xf32, #tpu.memory_space<vmem>>[vector<16xi32>], vector<16xf32>,
      %gather3A_324 = tpu.vector_load_idx %arg6[%add3A_153] : memref<14912xi32, #tpu.memory_space<vmem>>[vector<16xi32>], vector<16xi32>,
      %gather3A_325 = tpu.vector_load_idx %arg8[%gather3A_324] : memref<80xf32, #tpu.memory_space<vmem>>[vector<16xi32>], vector<16xf32>,
      %gather3A_326 = tpu.vector_load_idx %arg6[%add3A_158] : memref<14912xi32, #tpu.memory_space<vmem>>[vector<16xi32>], vector<16xi32>,
      %gather3A_327 = tpu.vector_load_idx %arg8[%gather3A_326] : memref<80xf32, #tpu.memory_space<vmem>>[vector<16xi32>], vector<16xf32>,
      %gather3A_328 = tpu.vector_load_idx %arg6[%add3A_163] : memref<14912xi32, #tpu.memory_space<vmem>>[vector<16xi32>], vector<16xi32>,
      %gather3A_329 = tpu.vector_load_idx %arg8[%gather3A_328] : memref<80xf32, #tpu.memory_space<vmem>>[vector<16xi32>], vector<16xf32>,
      %gather3A_330 = tpu.vector_load_idx %arg6[%add3A_168] : memref<14912xi32, #tpu.memory_space<vmem>>[vector<16xi32>], vector<16xi32>,
      %gather3A_331 = tpu.vector_load_idx %arg8[%gather3A_330] : memref<80xf32, #tpu.memory_space<vmem>>[vector<16xi32>], vector<16xf32>,
      %gather3A_332 = tpu.vector_load_idx %arg6[%add3A_173] : memref<14912xi32, #tpu.memory_space<vmem>>[vector<16xi32>], vector<16xi32>,
      %gather3A_333 = tpu.vector_load_idx %arg8[%gather3A_332] : memref<80xf32, #tpu.memory_space<vmem>>[vector<16xi32>], vector<16xf32>,
      %gather3A_334 = tpu.vector_load_idx %arg6[%add3A_178] : memref<14912xi32, #tpu.memory_space<vmem>>[vector<16xi32>], vector<16xi32>,
      %gather3A_335 = tpu.vector_load_idx %arg8[%gather3A_334] : memref<80xf32, #tpu.memory_space<vmem>>[vector<16xi32>], vector<16xf32>,
      %gather3A_336 = tpu.vector_load_idx %arg6[%add3A_183] : memref<14912xi32, #tpu.memory_space<vmem>>[vector<16xi32>], vector<16xi32>,
      %gather3A_337 = tpu.vector_load_idx %arg8[%gather3A_336] : memref<80xf32, #tpu.memory_space<vmem>>[vector<16xi32>], vector<16xf32>,
      %gather3A_338 = tpu.vector_load_idx %arg6[%add3A_188] : memref<14912xi32, #tpu.memory_space<vmem>>[vector<16xi32>], vector<16xi32>,
      %gather3A_339 = tpu.vector_load_idx %arg8[%gather3A_338] : memref<80xf32, #tpu.memory_space<vmem>>[vector<16xi32>], vector<16xf32>,
      %gather3A_340 = tpu.vector_load_idx %arg6[%add3A_193] : memref<14912xi32, #tpu.memory_space<vmem>>[vector<16xi32>], vector<16xi32>,
      %gather3A_341 = tpu.vector_load_idx %arg8[%gather3A_340] : memref<80xf32, #tpu.memory_space<vmem>>[vector<16xi32>], vector<16xf32>,
      %gather3A_342 = tpu.vector_load_idx %arg6[%add3A_198] : memref<14912xi32, #tpu.memory_space<vmem>>[vector<16xi32>], vector<16xi32>,
      %gather3A_343 = tpu.vector_load_idx %arg8[%gather3A_342] : memref<80xf32, #tpu.memory_space<vmem>>[vector<16xi32>], vector<16xf32>,
      %gather3A_344 = tpu.vector_load_idx %arg6[%add3A_203] : memref<14912xi32, #tpu.memory_space<vmem>>[vector<16xi32>], vector<16xi32>,
      %gather3A_345 = tpu.vector_load_idx %arg8[%gather3A_344] : memref<80xf32, #tpu.memory_space<vmem>>[vector<16xi32>], vector<16xf32>,
      %gather3A_346 = tpu.vector_load_idx %arg6[%add3A_208] : memref<14912xi32, #tpu.memory_space<vmem>>[vector<16xi32>], vector<16xi32>,
      %gather3A_347 = tpu.vector_load_idx %arg8[%gather3A_346] : memref<80xf32, #tpu.memory_space<vmem>>[vector<16xi32>], vector<16xf32>,
      %gather3A_348 = tpu.vector_load_idx %arg6[%add3A_213] : memref<14912xi32, #tpu.memory_space<vmem>>[vector<16xi32>], vector<16xi32>,
      %gather3A_349 = tpu.vector_load_idx %arg8[%gather3A_348] : memref<80xf32, #tpu.memory_space<vmem>>[vector<16xi32>], vector<16xf32>,
      %add3A_350 = arith.addf %gather3A_319, %gather3A_321 : vector<16xf32>
      %add3A_351 = arith.addf %gather3A_323, %gather3A_325 : vector<16xf32>
      %add3A_352 = arith.addf %gather3A_327, %gather3A_329 : vector<16xf32>
      %add3A_353 = arith.addf %gather3A_331, %gather3A_333 : vector<16xf32>
      %add3A_354 = arith.addf %gather3A_335, %gather3A_337 : vector<16xf32>
      %add3A_355 = arith.addf %gather3A_339, %gather3A_341 : vector<16xf32>
      %add3A_356 = arith.addf %gather3A_343, %gather3A_345 : vector<16xf32>
      %add3A_357 = arith.addf %gather3A_347, %gather3A_349 : vector<16xf32>
      %add3A_358 = arith.addf %add3A_350, %add3A_351 : vector<16xf32>
      %add3A_359 = arith.addf %add3A_352, %add3A_353 : vector<16xf32>
      %add3A_360 = arith.addf %add3A_354, %add3A_355 : vector<16xf32>
      %add3A_361 = arith.addf %add3A_356, %add3A_357 : vector<16xf32>
      %add3A_362 = arith.addf %add3A_358, %add3A_359 : vector<16xf32>
      %add3A_363 = arith.addf %add3A_360, %add3A_361 : vector<16xf32>
      %add3A_364 = arith.addf %add3A_362, %add3A_363 : vector<16xf32>
      %mul3A_365 = arith.constant 1.600000e+01 : f32
      %mul3A_366 = vector.broadcast %mul3A_365 : f32 to vector<16xf32>
      %mul3A_367 = arith.mulf %gather3A_298, %mul3A_366 : vector<16xf32>
      %sub3A_368 = arith.subf %mul3A_367, %add3A_364 : vector<16xf32>
      %mul3A_369 = arith.constant 2.500000e-01 : f32
      %mul3A_370 = vector.broadcast %mul3A_369 : f32 to vector<16xf32>
      %mul3A_371 = arith.mulf %add3A_317, %mul3A_370 : vector<16xf32>
      %sub3A_372 = arith.subf %sub3A_368, %mul3A_371 : vector<16xf32>
      %mul3A_373 = arith.mulf %sub3A_372, %div3A_302 : vector<16xf32>
      %add3A_374 = arith.addf %scan3A_55, %mul3A_373 : vector<16xf32>
      tpu.vector_store_idx %arg6[%add3A_138], %broadcast_in_dim3A_4 : memref<14912xi32, #tpu.memory_space<vmem>>[vector<16xi32>], vector<16xi32>,
      tpu.vector_store_idx %arg6[%add3A_143], %broadcast_in_dim3A_4 : memref<14912xi32, #tpu.memory_space<vmem>>[vector<16xi32>], vector<16xi32>,
      tpu.vector_store_idx %arg6[%add3A_148], %broadcast_in_dim3A_4 : memref<14912xi32, #tpu.memory_space<vmem>>[vector<16xi32>], vector<16xi32>,
      tpu.vector_store_idx %arg6[%add3A_153], %broadcast_in_dim3A_4 : memref<14912xi32, #tpu.memory_space<vmem>>[vector<16xi32>], vector<16xi32>,
      tpu.vector_store_idx %arg6[%add3A_158], %broadcast_in_dim3A_4 : memref<14912xi32, #tpu.memory_space<vmem>>[vector<16xi32>], vector<16xi32>,
      tpu.vector_store_idx %arg6[%add3A_163], %broadcast_in_dim3A_4 : memref<14912xi32, #tpu.memory_space<vmem>>[vector<16xi32>], vector<16xi32>,
      tpu.vector_store_idx %arg6[%add3A_168], %broadcast_in_dim3A_4 : memref<14912xi32, #tpu.memory_space<vmem>>[vector<16xi32>], vector<16xi32>,
      tpu.vector_store_idx %arg6[%add3A_173], %broadcast_in_dim3A_4 : memref<14912xi32, #tpu.memory_space<vmem>>[vector<16xi32>], vector<16xi32>,
      tpu.vector_store_idx %arg6[%add3A_178], %broadcast_in_dim3A_4 : memref<14912xi32, #tpu.memory_space<vmem>>[vector<16xi32>], vector<16xi32>,
      tpu.vector_store_idx %arg6[%add3A_183], %broadcast_in_dim3A_4 : memref<14912xi32, #tpu.memory_space<vmem>>[vector<16xi32>], vector<16xi32>,
      tpu.vector_store_idx %arg6[%add3A_188], %broadcast_in_dim3A_4 : memref<14912xi32, #tpu.memory_space<vmem>>[vector<16xi32>], vector<16xi32>,
      tpu.vector_store_idx %arg6[%add3A_193], %broadcast_in_dim3A_4 : memref<14912xi32, #tpu.memory_space<vmem>>[vector<16xi32>], vector<16xi32>,
      tpu.vector_store_idx %arg6[%add3A_198], %broadcast_in_dim3A_4 : memref<14912xi32, #tpu.memory_space<vmem>>[vector<16xi32>], vector<16xi32>,
      tpu.vector_store_idx %arg6[%add3A_203], %broadcast_in_dim3A_4 : memref<14912xi32, #tpu.memory_space<vmem>>[vector<16xi32>], vector<16xi32>,
      tpu.vector_store_idx %arg6[%add3A_208], %broadcast_in_dim3A_4 : memref<14912xi32, #tpu.memory_space<vmem>>[vector<16xi32>], vector<16xi32>,
      tpu.vector_store_idx %arg6[%add3A_213], %broadcast_in_dim3A_4 : memref<14912xi32, #tpu.memory_space<vmem>>[vector<16xi32>], vector<16xi32>,
      %gather3A_375 = tpu.vector_load_idx %arg7[%add3A_39] : memref<14912xi32, #tpu.memory_space<vmem>>[vector<16xi32>], vector<16xi32>,
      %gather3A_376 = tpu.vector_load_idx %arg7[%add3A_42] : memref<14912xi32, #tpu.memory_space<vmem>>[vector<16xi32>], vector<16xi32>,
      %gather3A_377 = tpu.vector_load_idx %arg7[%add3A_45] : memref<14912xi32, #tpu.memory_space<vmem>>[vector<16xi32>], vector<16xi32>,
      %add3A_378 = arith.addi %gather3A_375, %gather3A_376 : vector<16xi32>
      %add3A_379 = arith.addi %add3A_378, %gather3A_377 : vector<16xi32>
      %sub3A_380 = arith.subi %broadcast_in_dim3A_10, %add3A_379 : vector<16xi32>
      %gather3A_381 = tpu.vector_load_idx %arg8[%sub3A_380] : memref<80xf32, #tpu.memory_space<vmem>>[vector<16xi32>], vector<16xf32>,
      %convert_element_type3A_382 = arith.sitofp %sub3A_380 : vector<16xi32> to vector<16xf32>
      %max3A_383 = arith.constant 1.000000e+00 : f32
      %max3A_384 = vector.broadcast %max3A_383 : f32 to vector<16xf32>
      %max3A_385 = arith.maximumf %convert_element_type3A_382, %max3A_384 : vector<16xf32>
      %div3A_386 = arith.constant 1.000000e+00 : f32
      %div3A_387 = vector.broadcast %div3A_386 : f32 to vector<16xf32>
      %div3A_388 = arith.divf %div3A_387, %max3A_385 : vector<16xf32>
      %gather3A_389 = tpu.vector_load_idx %arg8[%gather3A_375] : memref<80xf32, #tpu.memory_space<vmem>>[vector<16xi32>], vector<16xf32>,
      %convert_element_type3A_390 = arith.sitofp %gather3A_375 : vector<16xi32> to vector<16xf32>
      %sub3A_391 = arith.subf %gather3A_381, %gather3A_389 : vector<16xf32>
      %mul3A_392 = arith.mulf %convert_element_type3A_390, %sub3A_391 : vector<16xf32>
      %add3A_393 = arith.addf %broadcast_in_dim3A_6, %mul3A_392 : vector<16xf32>
      %gather3A_394 = tpu.vector_load_idx %arg8[%gather3A_376] : memref<80xf32, #tpu.memory_space<vmem>>[vector<16xi32>], vector<16xf32>,
      %convert_element_type3A_395 = arith.sitofp %gather3A_376 : vector<16xi32> to vector<16xf32>
      %sub3A_396 = arith.subf %gather3A_381, %gather3A_394 : vector<16xf32>
      %mul3A_397 = arith.mulf %convert_element_type3A_395, %sub3A_396 : vector<16xf32>
      %add3A_398 = arith.addf %add3A_393, %mul3A_397 : vector<16xf32>
      %gather3A_399 = tpu.vector_load_idx %arg8[%gather3A_377] : memref<80xf32, #tpu.memory_space<vmem>>[vector<16xi32>], vector<16xf32>,
      %convert_element_type3A_400 = arith.sitofp %gather3A_377 : vector<16xi32> to vector<16xf32>
      %sub3A_401 = arith.subf %gather3A_381, %gather3A_399 : vector<16xf32>
      %mul3A_402 = arith.mulf %convert_element_type3A_400, %sub3A_401 : vector<16xf32>
      %add3A_403 = arith.addf %add3A_398, %mul3A_402 : vector<16xf32>
      %gather3A_404 = tpu.vector_load_idx %arg7[%add3A_218] : memref<14912xi32, #tpu.memory_space<vmem>>[vector<16xi32>], vector<16xi32>,
      %gather3A_405 = tpu.vector_load_idx %arg8[%gather3A_404] : memref<80xf32, #tpu.memory_space<vmem>>[vector<16xi32>], vector<16xf32>,
      %gather3A_406 = tpu.vector_load_idx %arg7[%add3A_223] : memref<14912xi32, #tpu.memory_space<vmem>>[vector<16xi32>], vector<16xi32>,
      %gather3A_407 = tpu.vector_load_idx %arg8[%gather3A_406] : memref<80xf32, #tpu.memory_space<vmem>>[vector<16xi32>], vector<16xf32>,
      %gather3A_408 = tpu.vector_load_idx %arg7[%add3A_228] : memref<14912xi32, #tpu.memory_space<vmem>>[vector<16xi32>], vector<16xi32>,
      %gather3A_409 = tpu.vector_load_idx %arg8[%gather3A_408] : memref<80xf32, #tpu.memory_space<vmem>>[vector<16xi32>], vector<16xf32>,
      %gather3A_410 = tpu.vector_load_idx %arg7[%add3A_233] : memref<14912xi32, #tpu.memory_space<vmem>>[vector<16xi32>], vector<16xi32>,
      %gather3A_411 = tpu.vector_load_idx %arg8[%gather3A_410] : memref<80xf32, #tpu.memory_space<vmem>>[vector<16xi32>], vector<16xf32>,
      %gather3A_412 = tpu.vector_load_idx %arg7[%add3A_238] : memref<14912xi32, #tpu.memory_space<vmem>>[vector<16xi32>], vector<16xi32>,
      %gather3A_413 = tpu.vector_load_idx %arg8[%gather3A_412] : memref<80xf32, #tpu.memory_space<vmem>>[vector<16xi32>], vector<16xf32>,
      %gather3A_414 = tpu.vector_load_idx %arg7[%add3A_243] : memref<14912xi32, #tpu.memory_space<vmem>>[vector<16xi32>], vector<16xi32>,
      %gather3A_415 = tpu.vector_load_idx %arg8[%gather3A_414] : memref<80xf32, #tpu.memory_space<vmem>>[vector<16xi32>], vector<16xf32>,
      %gather3A_416 = tpu.vector_load_idx %arg7[%add3A_248] : memref<14912xi32, #tpu.memory_space<vmem>>[vector<16xi32>], vector<16xi32>,
      %gather3A_417 = tpu.vector_load_idx %arg8[%gather3A_416] : memref<80xf32, #tpu.memory_space<vmem>>[vector<16xi32>], vector<16xf32>,
      %gather3A_418 = tpu.vector_load_idx %arg7[%add3A_253] : memref<14912xi32, #tpu.memory_space<vmem>>[vector<16xi32>], vector<16xi32>,
      %gather3A_419 = tpu.vector_load_idx %arg8[%gather3A_418] : memref<80xf32, #tpu.memory_space<vmem>>[vector<16xi32>], vector<16xf32>,
      %gather3A_420 = tpu.vector_load_idx %arg7[%add3A_258] : memref<14912xi32, #tpu.memory_space<vmem>>[vector<16xi32>], vector<16xi32>,
      %gather3A_421 = tpu.vector_load_idx %arg8[%gather3A_420] : memref<80xf32, #tpu.memory_space<vmem>>[vector<16xi32>], vector<16xf32>,
      %gather3A_422 = tpu.vector_load_idx %arg7[%add3A_263] : memref<14912xi32, #tpu.memory_space<vmem>>[vector<16xi32>], vector<16xi32>,
      %gather3A_423 = tpu.vector_load_idx %arg8[%gather3A_422] : memref<80xf32, #tpu.memory_space<vmem>>[vector<16xi32>], vector<16xf32>,
      %gather3A_424 = tpu.vector_load_idx %arg7[%add3A_268] : memref<14912xi32, #tpu.memory_space<vmem>>[vector<16xi32>], vector<16xi32>,
      %gather3A_425 = tpu.vector_load_idx %arg8[%gather3A_424] : memref<80xf32, #tpu.memory_space<vmem>>[vector<16xi32>], vector<16xf32>,
      %gather3A_426 = tpu.vector_load_idx %arg7[%add3A_273] : memref<14912xi32, #tpu.memory_space<vmem>>[vector<16xi32>], vector<16xi32>,
      %gather3A_427 = tpu.vector_load_idx %arg8[%gather3A_426] : memref<80xf32, #tpu.memory_space<vmem>>[vector<16xi32>], vector<16xf32>,
      %gather3A_428 = tpu.vector_load_idx %arg7[%add3A_278] : memref<14912xi32, #tpu.memory_space<vmem>>[vector<16xi32>], vector<16xi32>,
      %gather3A_429 = tpu.vector_load_idx %arg8[%gather3A_428] : memref<80xf32, #tpu.memory_space<vmem>>[vector<16xi32>], vector<16xf32>,
      %gather3A_430 = tpu.vector_load_idx %arg7[%add3A_283] : memref<14912xi32, #tpu.memory_space<vmem>>[vector<16xi32>], vector<16xi32>,
      %gather3A_431 = tpu.vector_load_idx %arg8[%gather3A_430] : memref<80xf32, #tpu.memory_space<vmem>>[vector<16xi32>], vector<16xf32>,
      %gather3A_432 = tpu.vector_load_idx %arg7[%add3A_288] : memref<14912xi32, #tpu.memory_space<vmem>>[vector<16xi32>], vector<16xi32>,
      %gather3A_433 = tpu.vector_load_idx %arg8[%gather3A_432] : memref<80xf32, #tpu.memory_space<vmem>>[vector<16xi32>], vector<16xf32>,
      %gather3A_434 = tpu.vector_load_idx %arg7[%add3A_293] : memref<14912xi32, #tpu.memory_space<vmem>>[vector<16xi32>], vector<16xi32>,
      %gather3A_435 = tpu.vector_load_idx %arg8[%gather3A_434] : memref<80xf32, #tpu.memory_space<vmem>>[vector<16xi32>], vector<16xf32>,
      %add3A_436 = arith.addf %gather3A_405, %gather3A_407 : vector<16xf32>
      %add3A_437 = arith.addf %gather3A_409, %gather3A_411 : vector<16xf32>
      %add3A_438 = arith.addf %gather3A_413, %gather3A_415 : vector<16xf32>
      %add3A_439 = arith.addf %gather3A_417, %gather3A_419 : vector<16xf32>
      %add3A_440 = arith.addf %gather3A_421, %gather3A_423 : vector<16xf32>
      %add3A_441 = arith.addf %gather3A_425, %gather3A_427 : vector<16xf32>
      %add3A_442 = arith.addf %gather3A_429, %gather3A_431 : vector<16xf32>
      %add3A_443 = arith.addf %gather3A_433, %gather3A_435 : vector<16xf32>
      %add3A_444 = arith.addf %add3A_436, %add3A_437 : vector<16xf32>
      %add3A_445 = arith.addf %add3A_438, %add3A_439 : vector<16xf32>
      %add3A_446 = arith.addf %add3A_440, %add3A_441 : vector<16xf32>
      %add3A_447 = arith.addf %add3A_442, %add3A_443 : vector<16xf32>
      %add3A_448 = arith.addf %add3A_444, %add3A_445 : vector<16xf32>
      %add3A_449 = arith.addf %add3A_446, %add3A_447 : vector<16xf32>
      %add3A_450 = arith.addf %add3A_448, %add3A_449 : vector<16xf32>
      %mul3A_451 = arith.constant 1.600000e+01 : f32
      %mul3A_452 = vector.broadcast %mul3A_451 : f32 to vector<16xf32>
      %mul3A_453 = arith.mulf %gather3A_381, %mul3A_452 : vector<16xf32>
      %sub3A_454 = arith.subf %mul3A_453, %add3A_450 : vector<16xf32>
      %mul3A_455 = arith.constant 2.500000e-01 : f32
      %mul3A_456 = vector.broadcast %mul3A_455 : f32 to vector<16xf32>
      %mul3A_457 = arith.mulf %add3A_403, %mul3A_456 : vector<16xf32>
      %sub3A_458 = arith.subf %sub3A_454, %mul3A_457 : vector<16xf32>
      %mul3A_459 = arith.mulf %sub3A_458, %div3A_388 : vector<16xf32>
      %add3A_460 = arith.addf %add3A_374, %mul3A_459 : vector<16xf32>
      tpu.vector_store_idx %arg7[%add3A_218], %broadcast_in_dim3A_4 : memref<14912xi32, #tpu.memory_space<vmem>>[vector<16xi32>], vector<16xi32>,
      tpu.vector_store_idx %arg7[%add3A_223], %broadcast_in_dim3A_4 : memref<14912xi32, #tpu.memory_space<vmem>>[vector<16xi32>], vector<16xi32>,
      tpu.vector_store_idx %arg7[%add3A_228], %broadcast_in_dim3A_4 : memref<14912xi32, #tpu.memory_space<vmem>>[vector<16xi32>], vector<16xi32>,
      tpu.vector_store_idx %arg7[%add3A_233], %broadcast_in_dim3A_4 : memref<14912xi32, #tpu.memory_space<vmem>>[vector<16xi32>], vector<16xi32>,
      tpu.vector_store_idx %arg7[%add3A_238], %broadcast_in_dim3A_4 : memref<14912xi32, #tpu.memory_space<vmem>>[vector<16xi32>], vector<16xi32>,
      tpu.vector_store_idx %arg7[%add3A_243], %broadcast_in_dim3A_4 : memref<14912xi32, #tpu.memory_space<vmem>>[vector<16xi32>], vector<16xi32>,
      tpu.vector_store_idx %arg7[%add3A_248], %broadcast_in_dim3A_4 : memref<14912xi32, #tpu.memory_space<vmem>>[vector<16xi32>], vector<16xi32>,
      tpu.vector_store_idx %arg7[%add3A_253], %broadcast_in_dim3A_4 : memref<14912xi32, #tpu.memory_space<vmem>>[vector<16xi32>], vector<16xi32>,
      tpu.vector_store_idx %arg7[%add3A_258], %broadcast_in_dim3A_4 : memref<14912xi32, #tpu.memory_space<vmem>>[vector<16xi32>], vector<16xi32>,
      tpu.vector_store_idx %arg7[%add3A_263], %broadcast_in_dim3A_4 : memref<14912xi32, #tpu.memory_space<vmem>>[vector<16xi32>], vector<16xi32>,
      tpu.vector_store_idx %arg7[%add3A_268], %broadcast_in_dim3A_4 : memref<14912xi32, #tpu.memory_space<vmem>>[vector<16xi32>], vector<16xi32>,
      tpu.vector_store_idx %arg7[%add3A_273], %broadcast_in_dim3A_4 : memref<14912xi32, #tpu.memory_space<vmem>>[vector<16xi32>], vector<16xi32>,
      tpu.vector_store_idx %arg7[%add3A_278], %broadcast_in_dim3A_4 : memref<14912xi32, #tpu.memory_space<vmem>>[vector<16xi32>], vector<16xi32>,
      tpu.vector_store_idx %arg7[%add3A_283], %broadcast_in_dim3A_4 : memref<14912xi32, #tpu.memory_space<vmem>>[vector<16xi32>], vector<16xi32>,
      tpu.vector_store_idx %arg7[%add3A_288], %broadcast_in_dim3A_4 : memref<14912xi32, #tpu.memory_space<vmem>>[vector<16xi32>], vector<16xi32>,
      tpu.vector_store_idx %arg7[%add3A_293], %broadcast_in_dim3A_4 : memref<14912xi32, #tpu.memory_space<vmem>>[vector<16xi32>], vector<16xi32>,
      scf.yield %add3A_460 : vector<16xf32>
    }
    %scan3A_51 = arith.constant 128 : i32
    %swap3A_52 = arith.constant 0 : index
    %swap3A_53 = tpu.vector_load %arg9[%swap3A_52] {strides = array<i32>} : memref<16xf32, #tpu.memory_space<vmem>>, vector<16xf32>,
    tpu.vector_store %arg9[%swap3A_52], %scan3A_50 {strides = array<i32>} : memref<16xf32, #tpu.memory_space<vmem>>, vector<16xf32>,
    "tpu.region"() ({
      %run_scoped3A = tpu.sem_alloc : memref<!tpu.dma_semaphore, #tpu.memory_space<semaphore_mem>>
      %dma_start3A_54 = arith.constant 0 : i32
      %dma_start3A_55 = tpu.memref_slice %arg4[%add3A, %dma_start3A_54] : memref<32x16xf32, #tpu.memory_space<hbm>> -> memref<1x16xf32, #tpu.memory_space<hbm>>
      %dma_start3A_56 = tpu.memref_squeeze %dma_start3A_55 : memref<1x16xf32, #tpu.memory_space<hbm>> -> memref<16xf32, #tpu.memory_space<hbm>>
      %dma_start3A_57 = arith.constant 0 : i32
      %dma_start3A_58 = tpu.memref_slice %arg4[%add3A, %dma_start3A_57] : memref<32x16xf32, #tpu.memory_space<hbm>> -> memref<1x16xf32, #tpu.memory_space<hbm>>
      %dma_start3A_59 = tpu.memref_squeeze %dma_start3A_58 : memref<1x16xf32, #tpu.memory_space<hbm>> -> memref<16xf32, #tpu.memory_space<hbm>>
      tpu.enqueue_dma source(%arg9 : memref<16xf32, #tpu.memory_space<vmem>>) target(%dma_start3A_59 : memref<16xf32, #tpu.memory_space<hbm>>) target_semaphore(%run_scoped3A : memref<!tpu.dma_semaphore, #tpu.memory_space<semaphore_mem>>)
      %dma_wait3A_60 = arith.constant 0 : i32
      %dma_wait3A_61 = tpu.memref_slice %arg4[%add3A, %dma_wait3A_60] : memref<32x16xf32, #tpu.memory_space<hbm>> -> memref<1x16xf32, #tpu.memory_space<hbm>>
      %dma_wait3A_62 = tpu.memref_squeeze %dma_wait3A_61 : memref<1x16xf32, #tpu.memory_space<hbm>> -> memref<16xf32, #tpu.memory_space<hbm>>
      %dma_wait3A_63 = arith.constant 0 : i32
      %dma_wait3A_64 = tpu.memref_slice %arg4[%add3A, %dma_wait3A_63] : memref<32x16xf32, #tpu.memory_space<hbm>> -> memref<1x16xf32, #tpu.memory_space<hbm>>
      %dma_wait3A_65 = tpu.memref_squeeze %dma_wait3A_64 : memref<1x16xf32, #tpu.memory_space<hbm>> -> memref<16xf32, #tpu.memory_space<hbm>>
      tpu.wait_dma2 semaphore(%run_scoped3A : memref<!tpu.dma_semaphore, #tpu.memory_space<semaphore_mem>>) src(%arg9 : memref<16xf32, #tpu.memory_space<vmem>>) dst(%dma_wait3A_65 : memref<16xf32, #tpu.memory_space<hbm>>)
      tpu.yield
    }) : () -> ()
    return
  }
}

</mosaic_0001>

<sc_bundles>
// kernel: _sc_entropy.3.cloned.1.call-start
scs
__scs_entry_jumppad:
0x0: {  	(pc) =	sbr.rel $0x88, $3  }
0x1: {  	(tag) =	ssettag $0x0;
	lr =	simm.s32 $0x1  }
0x2: {  	[smem:$0x3F9F] =	sst lr;
	_ =	strace $0xD0000000  }
0x3: {  	_ = 	snop  }
0x4: {  	_ = 	snop  }
0x5: {  	_ = 	snop  }
0x6: {  	_ = 	snop  }
0x7: {  	_ = 	snop  }
__scs_overlays_trampoline_lowered:
0x8: {  	[smem:$0x3FAE] =	sst s0  }
0x9: {  	[smem:$0x3FAF] =	sst s1  }
0xa: {  	[smem:$0x3FB0] =	sst s2  }
0xb: {  	[smem:$0x3FB1] =	sst s3  }
0xc: {  	[smem:$0x3FB2] =	sst s4  }
0xd: {  	[smem:$0x3FB3] =	sst s5  }
0xe: {  	[smem:$0x3FB4] =	sst s6  }
0xf: {  	[smem:$0x3FB5] =	sst s7  }
0x10: {  	[smem:$0x3FB6] =	sst s8  }
0x11: {  	[smem:$0x3FB7] =	sst s9;
	s0 =	simm.s32 @!p0 $0x0  }
0x12: {  	s1 =	sld [smem:$0x3F9D];
	s0 =	simm.s32 @p0 $0x1  }
0x13: {  	[smem:$0x3FB8] =	sst s0;
	s0 =	simm.s32 @!p1 $0x0  }
0x14: {  	s2 =	sld [smem:$0x3F9C];
	s0 =	simm.s32 @p1 $0x1  }
0x15: {  	[smem:$0x3FB9] =	sst s0;
	s0 =	simm.s32 @!p2 $0x0  }
0x16: {  	s3 =	sld [smem:$0x3FDB];
	s0 =	simm.s32 @p2 $0x1  }
0x17: {  	s4 =	simm.s32 $0x1BF5;
	[smem:$0x3FBB] =	sst s0  }
0x18: {  	s0 =	sld [smem:$0x3F9E];
	_ =	swait.ge [sflag:s4], $0x0  }
0x19: {  	s7 =	sld [smem:$0x3F9F]  }
0x1a: {  	s8 =	sadd.s32 $0xFFFFE003, lr  }
0x1b: {  	s9 =	sadd.s32 $0xFFFFFEF7, lr;
	s5 =	simm.s32 $0xFFFFFFFF;
	p2 =	slt.u32 s8, $0xFFFFF086  }
0x1c: {  	p1 =	slt.u32 s9, $0xF7A;
	s5 =	simm.s32 @!p2 $0x0  }
0x1d: {  	s5 =	simm.s32 @p1 $0x1;
	p0 =	seq.s32 s7, s2  }
0x1e: {  	s7 =	smul.u32 @!p0 $0xF7A, s2;
	p2 =	seq.s32 @!p0 s5, $0x0  }
0x1f: {  	s9 =	smul.u32 $0xF7A, s1;
	s8 =	simm.s32 @!p0 $0x1BF5;
	p2 =	por !p2, p0  }
0x20: {  	[sflag:s8] =	ssyncset.s32 @!p0 $0xFFFFF086;
	s6 =	sadd.s32 @!p0 s3, s7;
	s7 =	simm.s32 @!p0 $0x108  }
0x21: {  	s3 =	sadd.s32 s3, s9;
	s6 =	sadd.s32 @!p0 $0x88, s6;
	s7 =	simm.s32 @p2 $0x1082  }
0x22: {  	[simem:s7], [sflag:s8] =	dma.local @!p0 [hbm:s6], $0xF7A  }
0x23: {  	s9 =	sor.u32 $0xD0000000, s2;
	s6 =	simm.s32 $0x108;
	_ =	swait.ge @!p0 [sflag:s8], $0x0  }
0x24: {  	s3 =	sadd.s32 $0x88, s3;
	s6 =	simm.s32 @!p1 $0x1082;
	[sflag:s4] =	ssyncset.s32 $0xFFFFF086  }
0x25: {  	[simem:s6], [sflag:s4] =	dma.local [hbm:s3], $0xF7A  }
0x26: {  	[smem:$0x3F9F] =	sst s1;
	(tag) =	ssettag s2;
	_ =	strace s9  }
0x27: {  	s1 =	sld [smem:$0x3FAF]  }
0x28: {  	s2 =	sld [smem:$0x3FB0]  }
0x29: {  	s4 =	sld [smem:$0x3FB2]  }
0x2a: {  	p0 =	seq.s32 s5, $0x0;
	s5 =	sld [smem:$0x3FB3]  }
0x2b: {  	s6 =	sld [smem:$0x3FB4]  }
0x2c: {  	s7 =	sld [smem:$0x3FB5]  }
0x2d: {  	s3 =	simm.s32 $0x108;
	s8 =	sld [smem:$0x3FB6]  }
0x2e: {  	s3 =	simm.s32 @!p0 $0x1082;
	s9 =	sld [smem:$0x3FB7]  }
0x2f: {  	lr =	sadd.s32 s0, s3;
	s0 =	sld [smem:$0x3FAE]  }
0x30: {  	s3 =	sld [smem:$0x3FB1]  }
0x31: {  	[smem:$0x3FBA] =	sst s10  }
0x32: {  	s10 =	sld [smem:$0x3FB8];
	_ =	sdelay $0x3  }
0x33: {  	p0 =	seq.s32 s10, $0x1;
	s10 =	sld [smem:$0x3FBA];
	_ =	sdelay $0x3  }
0x34: {  	[smem:$0x3FBA] =	sst s10  }
0x35: {  	s10 =	sld [smem:$0x3FB9];
	_ =	sdelay $0x3  }
0x36: {  	p1 =	seq.s32 s10, $0x1;
	s10 =	sld [smem:$0x3FBA];
	_ =	sdelay $0x3  }
0x37: {  	[smem:$0x3FBA] =	sst s10  }
0x38: {  	s10 =	sld [smem:$0x3FBB]  }
0x39: {  	_ = 	snop;
	(pc) =	sbr.ind lr, $3  }
0x3a: {  	_ = 	snop  }
0x3b: {  	_ = 	snop  }
0x3c: {  	p2 =	seq.s32 s10, $0x1;
	s10 =	sld [smem:$0x3FBA]  }
0x3d: {  	_ =	shalt  }
0x3e: {  	_ =	shalt  }
0x3f: {  	_ =	shalt  }
0x40: {  	_ =	shalt  }
0x41: {  	_ =	shalt  }
0x42: {  	_ =	shalt  }
0x43: {  	_ =	shalt  }
0x44: {  	_ =	shalt  }
0x45: {  	_ =	shalt  }
0x46: {  	_ =	shalt  }
0x47: {  	_ =	shalt  }
0x48: {  	_ =	shalt  }
0x49: {  	_ =	shalt  }
0x4a: {  	_ =	shalt  }
0x4b: {  	_ =	shalt  }
0x4c: {  	_ =	shalt  }
0x4d: {  	_ =	shalt  }
0x4e: {  	_ =	shalt  }
0x4f: {  	_ =	shalt  }
0x50: {  	_ =	shalt  }
0x51: {  	_ =	shalt  }
0x52: {  	_ =	shalt  }
0x53: {  	_ =	shalt  }
0x54: {  	_ =	shalt  }
0x55: {  	_ =	shalt  }
0x56: {  	_ =	shalt  }
0x57: {  	_ =	shalt  }
0x58: {  	_ =	shalt  }
0x59: {  	_ =	shalt  }
0x5a: {  	_ =	shalt  }
0x5b: {  	_ =	shalt  }
0x5c: {  	_ =	shalt  }
0x5d: {  	_ =	shalt  }
0x5e: {  	_ =	shalt  }
0x5f: {  	_ =	shalt  }
0x60: {  	_ =	shalt  }
0x61: {  	_ =	shalt  }
0x62: {  	_ =	shalt  }
0x63: {  	_ =	shalt  }
0x64: {  	_ =	shalt  }
0x65: {  	_ =	shalt  }
0x66: {  	_ =	shalt  }
0x67: {  	_ =	shalt  }
0x68: {  	_ =	shalt  }
0x69: {  	_ =	shalt  }
0x6a: {  	_ =	shalt  }
0x6b: {  	_ =	shalt  }
0x6c: {  	_ =	shalt  }
0x6d: {  	_ =	shalt  }
0x6e: {  	_ =	shalt  }
0x6f: {  	_ =	shalt  }
0x70: {  	_ =	shalt  }
0x71: {  	_ =	shalt  }
0x72: {  	_ =	shalt  }
0x73: {  	_ =	shalt  }
0x74: {  	_ =	shalt  }
0x75: {  	_ =	shalt  }
0x76: {  	_ =	shalt  }
0x77: {  	_ =	shalt  }
0x78: {  	_ =	shalt  }
0x79: {  	_ =	shalt  }
0x7a: {  	_ =	shalt  }
0x7b: {  	_ =	shalt  }
0x7c: {  	_ =	shalt  }
0x7d: {  	_ =	shalt  }
0x7e: {  	_ =	shalt  }
0x7f: {  	_ =	shalt  }
0x80: {  	_ =	shalt  }
0x81: {  	_ =	shalt  }
0x82: {  	_ =	shalt  }
0x83: {  	_ =	shalt  }
0x84: {  	_ =	shalt  }
0x85: {  	_ =	shalt  }
0x86: {  	_ =	shalt  }
0x87: {  	_ =	shalt  }
.Lfunc_end0:
.L_simem_size_0:
called_computation_lowered:
.L_overlay_start_0:
0x88: {  	s2 =	sld [smem:$0x3FD9]  }
0x89: {  	s3 =	sld [smem:$0x3FFE];
	_ =	sdelay $0x1  }
0x8a: {  	s1 =	srdreg.scid  }
0x8b: {  	s0 =	sand.u32 $0x1, s1  }
0x8c: {  	s17 =	sshll.u32 s0, $0xA;
	s2 =	sadd.s32 s3, s2  }
0x8d: {  	s2 =	sadd.s32 s2, s17  }
0x8e: {  	[smem:$0x3FC6] =	sst s2  }
0x8f: {  	_ = 	snop  }
0x90: {  	s2 =	sld [smem:$0x3FC9]  }
0x91: {  	s18 =	sld [smem:$0x3FC8];
	(tm) =	ssettm $0x1  }
0x92: {  	s4 =	sld [smem:$0x3FFB];
	_ =	sdelay $0x3  }
0x93: {  	_ =	strace s4  }
0x94: {  	s4 =	sld [smem:$0x3FFC];
	_ =	sdelay $0x3  }
0x95: {  	_ =	strace s4  }
0x96: {  	s4 =	sld [smem:$0x3FFD];
	_ =	sdelay $0x3  }
0x97: {  	_ =	strace s4  }
0x98: {  	_ =	strace $0x8FFFFFFF  }
0x99: {  	s19 =	sld [smem:$0x3FDB];
	_ =	sdelay $0x1  }
0x9a: {  	s5 =	simm.s32 $_scs_section_size  }
0x9b: {  	s6 =	simm.s32 $_size__tile_overlayer_lowered;
	s7 =	simm.s32 $_tile_overlayer_lowered  }
0x9c: {  	s22 =	simm.s32 $0x1BFF;
	s21 =	sshll.u32 s7, $0x1;
	s4 =	sadd.s32 s5, s19  }
0x9d: {  	s8 =	simm.s32 $0x0;
	s20 =	sshll.u32 s6, $0x1;
	s6 =	sadd.s32 s21, s4  }
0x9e: {  	[timem:s8], [sflag:s22] =	dma.local [hbm:s6], s20  }
0x9f: {  	_ =	swait.ge [sflag:s22], s20  }
0xa0: {  	s5 =	ssub.s32 $0x0, s20;
	[sflag:s22] =	ssyncset.done $0x0  }
0xa1: {  	[sflag:s22] =	ssyncadd.s32 s5;
	_ =	sdelay $0x1  }
0xa2: {  	s23 =	simm.s32 $0x1B8B  }
0xa3: {  	_ =	swait.ge [sflag:s23], $0x1  }
0xa4: {  	[sflag:s23] =	ssyncset.done $0x0  }
0xa5: {  	s25 =	simm.s32 $0x1B8E;
	s24 =	sld [smem:$0x3FFE];
	[sflag:s23] =	ssyncadd.s32 $0xFFFFFFFF  }
0xa6: {  	s26 =	simm.s32 $execute0_lowered;
	[smem:$0x3FD2] =	sst s25  }
0xa7: {  	s6 =	sshll.u32 s26, $0x1;
	_ =	strace $0x80000046;
	[dreg:$0x1] =	wrdreg $0xFFFFFFFF  }
0xa8: {  	s28 =	simm.s32 $_size_execute0_lowered;
	s4 =	sadd.s32 s4, s6;
	[dreg:$0x0] =	wrdreg $0x0  }
0xa9: {  	s6 =	sshll.u32 s28, $0x1;
	[dreg:$0x2] =	wrdreg s4  }
0xaa: {  	[dreg:$0x3] =	wrdreg s6  }
0xab: {  	[dreg:$0x4] =	wrdreg $0xC0  }
0xac: {  	_ =	task [dreg:s8], $0x5FFFF  }
0xad: {  	[dreg:$0x1] =	wrdreg $0xFFFFFFFF  }
0xae: {  	[dreg:$0x0] =	wrdreg $0x60  }
0xaf: {  	[dreg:$0x2] =	wrdreg s2  }
0xb0: {  	[dreg:$0x3] =	wrdreg s18  }
0xb1: {  	[dreg:$0x4] =	wrdreg s24  }
0xb2: {  	[dreg:$0x5] =	wrdreg $0x9  }
0xb3: {  	_ =	task.clear_ibuf [dreg:s8], $0x6FFFF;
	_ =	strace $0x90000046  }
0xb4: {  	s29 =	simm.s32 $0x9;
	_ =	strace $0x80000048  }
0xb5: {  	_ =	swait.ge [sflag:s29], $0x1  }
0xb6: {  	[sflag:s29] =	ssyncadd.s32 $0xFFFFFFFF  }
0xb7: {  	_ =	strace $0x90000048  }
0xb8: {  	_ =	sfence  }
0xb9: {  	s30 =	sld [smem:$0x0];
	_ =	sdelay $0x2  }
0xba: {  	s31 =	sshll.u32 s1, $0xD;
	s1 =	sshrl.u32 s1, $0x2  }
0xbb: {  	s3 =	sand.u32 $0x4000, s31;
	s1 =	sadd.s32 s1, s30  }
0xbc: {  	s0 =	sor.u32 s3, s0;
	s1 =	sshll.u32 s1, $0x11  }
0xbd: {  	s0 =	sor.u32 s1, s0  }
0xbe: {  	s0 =	sadd.s32 $0x8F2B, s0  }
0xbf: {  	[sflag:s0] =	ssyncadd.remote.s32 $0x1  }
0xc0: {  	_ =	sfence.sel $0xFFFF  }
0xc1: {  	[dreg:$0x0] =	wrdreg $0xFFFFFFFF;
	(pc) =	sbr.abs _section_cstart, $3  }
0xc2: {  	[dreg:$0x1] =	wrdreg $0xFFFFFFFF  }
0xc3: {  	_ =	task.clear_ibuf [dreg:s8], $0x2FFFF;
	_ =	strace $0x9FFFFFFF  }
0xc4: {  	(tm) =	ssettm $0x7FFFFFFF  }
0xc5: {  	_ =	shalt  }
tec
execute0_lowered:
.L_overlay_start_1:
0x0: {  	(tag) =	ssettag $0x1  }
0x1: {  	s4 =	rddreg [dreg:$0x0]  }
0x2: {  	s1 =	rddreg [dreg:$0x1]  }
0x3: {  	s5 =	rddreg [dreg:$0x2]  }
0x4: {  	s0 =	rddreg [dreg:$0x3];
	s6 =	srdreg.scid  }
0x5: {  	s3 =	simm.s32 $0x0;
	s2 =	stileid.u32;
	s10 =	simm.s32 $0x10000  }
0x6: {  	s11 =	simm.s32 $0x13A80;
	s12 =	simm.s32 $0x17580;
	s13 =	simm.s32 $0x0  }
0x7: {  	s6 =	sand.u32 $0x1, s6;
	[smem:$0x7FF] =	sst s3;
	s7 =	sshll.u32 s2, $0x4  }
0x8: {  	v0 =	vlaneseq.u32;
	s8 =	sshll.u32 s6, $0x4;
	_ =	strace $0x80000047;
	s7 =	sand.u32 $0x70, s7  }
0x9: {  	v0 =	vshrl.u32 v0, $0x2;
	s6 =	ssub.s32 $0x2, s6;
	s8 =	sor.u32 s2, s8;
	s5 =	sadd.s32 s7, s5  }
0xa: {  	v0 =	vmul.u32 $0xE90, v0;
	s9 =	sshrl.u32 s6, $0x1;
	s31 =	sshll.u32 s8, $0x4;
	s8 =	sshll.u32 s8, $0xD  }
0xb: {  	s6 =	ssub.s32 s6, s9;
	s9 =	simm.s32 $0x1;
	s7 =	sand.u32 $0x180, s31  }
0xc: {  	v1 =	vimm.s32 $0x0;
	v5 =	vadd.s32 $0xD18, v0;
	s4 =	sadd.s32 s4, s8;
	s6 =	smax.u32 s6, $0x1;
	s5 =	sadd.s32 s7, s5  }
0xd: {  	v2 =	vimm.s32 $0x1;
	v3 =	vadd.s32 $0x66, v0;
	v6 =	vadd.s32 $0x240, v0;
	s8 =	simm.s32 $0x2;
	[tilespmem:$0x1FFF0] =	vst v5;
	s7 =	simm.s32 $0x17500;
	s5 =	sadd.s32 $0x400, s5  }
.LBB2_1:
0xe: {  	[tilespmem:s3], [sflag:$0x1] =	stream.linear.gather [hbm4b:s4+s3], $0x10000, $0x38;
	[tilespmem:$0x17600] =	vst v63  }
0xf: {  	_ = 	snop  }
0x10: {  	[tilespmem:s7], [sflag:$0x2] =	stream.linear.gather [hbm4b:s1+s3], $0x80, $0x38;
	[tilespmem:$0x17600] =	vst v63  }
0x11: {  	_ =	swait.ge [sflag:s8], $0x80  }
0x12: {  	[sflag:s8] =	ssyncset.done $0x0  }
0x13: {  	s14 =	simm.s32 $0x0;
	s15 =	simm.s32 $0x400;
	[sflag:s8] =	ssyncadd.s32 $0xFFFFFF80  }
.LBB2_2:
0x14: {  	p0 =	sne.s32 s15, $0xE400;
	[tilespmem:s14+$0x13B70] =	vst v1  }
0x15: {  	[tilespmem:s14+$0x10000] =	vst v1  }
0x16: {  	[tilespmem:s14+$0x10010] =	vst v1  }
0x17: {  	[tilespmem:s14+$0x13A80] =	vst v1  }
0x18: {  	[tilespmem:s14+$0x13A90] =	vst v1  }
0x19: {  	[tilespmem:s14+$0x10020] =	vst v1  }
0x1a: {  	[tilespmem:s14+$0x10030] =	vst v1  }
0x1b: {  	[tilespmem:s14+$0x13AA0] =	vst v1  }
0x1c: {  	[tilespmem:s14+$0x13AB0] =	vst v1  }
0x1d: {  	[tilespmem:s14+$0x10040] =	vst v1  }
0x1e: {  	[tilespmem:s14+$0x10050] =	vst v1  }
0x1f: {  	[tilespmem:s14+$0x13AC0] =	vst v1  }
0x20: {  	[tilespmem:s14+$0x13AD0] =	vst v1  }
0x21: {  	[tilespmem:s14+$0x10060] =	vst v1  }
0x22: {  	[tilespmem:s14+$0x10070] =	vst v1  }
0x23: {  	[tilespmem:s14+$0x13AE0] =	vst v1  }
0x24: {  	[tilespmem:s14+$0x13AF0] =	vst v1  }
0x25: {  	[tilespmem:s14+$0x10080] =	vst v1  }
0x26: {  	[tilespmem:s14+$0x10090] =	vst v1  }
0x27: {  	[tilespmem:s14+$0x13B00] =	vst v1  }
0x28: {  	[tilespmem:s14+$0x13B10] =	vst v1  }
0x29: {  	[tilespmem:s14+$0x100A0] =	vst v1  }
0x2a: {  	[tilespmem:s14+$0x100B0] =	vst v1  }
0x2b: {  	[tilespmem:s14+$0x13B20] =	vst v1  }
0x2c: {  	[tilespmem:s14+$0x13B30] =	vst v1  }
0x2d: {  	[tilespmem:s14+$0x100C0] =	vst v1  }
0x2e: {  	[tilespmem:s14+$0x100D0] =	vst v1  }
.Ltmp0:
0x2f: {  	[tilespmem:s14+$0x13B40] =	vst v1;
	(pc) =	sbr.rel @p0 .LBB2_2-.Ltmp0, $4  }
0x30: {  	[tilespmem:s14+$0x13B50] =	vst v1  }
0x31: {  	[tilespmem:s14+$0x100E0] =	vst v1  }
0x32: {  	[tilespmem:s14+$0x100F0] =	vst v1  }
0x33: {  	[tilespmem:s14+$0x13B60] =	vst v1;
	s14 =	sshra.s32 s15, $0x2;
	s15 =	sadd.s32 $0x400, s15  }
0x34: {  	[tilespmem:s14+$0x13B70] =	vst v1  }
0x35: {  	[tilespmem:s14+$0x10000] =	vst v1  }
0x36: {  	[tilespmem:s14+$0x10010] =	vst v1  }
0x37: {  	[tilespmem:s14+$0x13A80] =	vst v1  }
0x38: {  	[tilespmem:s14+$0x13A90] =	vst v1  }
0x39: {  	[tilespmem:s14+$0x10020] =	vst v1  }
0x3a: {  	[tilespmem:s14+$0x10030] =	vst v1  }
0x3b: {  	[tilespmem:s14+$0x13AA0] =	vst v1  }
0x3c: {  	[tilespmem:s14+$0x13AB0] =	vst v1  }
0x3d: {  	[tilespmem:s14+$0x10040] =	vst v1  }
0x3e: {  	[tilespmem:s14+$0x10050] =	vst v1  }
0x3f: {  	[tilespmem:s14+$0x13AC0] =	vst v1  }
0x40: {  	[tilespmem:s14+$0x13AD0] =	vst v1  }
0x41: {  	[tilespmem:s14+$0x10060] =	vst v1  }
0x42: {  	[tilespmem:s14+$0x10070] =	vst v1  }
0x43: {  	[tilespmem:s14+$0x13AE0] =	vst v1  }
0x44: {  	[tilespmem:s14+$0x13AF0] =	vst v1  }
0x45: {  	[tilespmem:s14+$0x10080] =	vst v1  }
0x46: {  	[tilespmem:s14+$0x10090] =	vst v1  }
0x47: {  	[tilespmem:s14+$0x13B00] =	vst v1  }
0x48: {  	[tilespmem:s14+$0x13B10] =	vst v1  }
0x49: {  	[tilespmem:s14+$0x100A0] =	vst v1  }
0x4a: {  	[tilespmem:s14+$0x100B0] =	vst v1  }
0x4b: {  	[tilespmem:s14+$0x13B20] =	vst v1  }
0x4c: {  	[tilespmem:s14+$0x13B30] =	vst v1  }
0x4d: {  	[tilespmem:s14+$0x100C0] =	vst v1  }
0x4e: {  	[tilespmem:s14+$0x100D0] =	vst v1  }
0x4f: {  	[tilespmem:s14+$0x13B40] =	vst v1  }
0x50: {  	[tilespmem:s14+$0x13B50] =	vst v1  }
0x51: {  	[tilespmem:s14+$0x100E0] =	vst v1  }
0x52: {  	[tilespmem:s14+$0x100F0] =	vst v1  }
0x53: {  	[tilespmem:s14+$0x13B60] =	vst v1  }
0x54: {  	[tilespmem:$0x13A00] =	vst v1  }
0x55: {  	[tilespmem:$0x17480] =	vst v1  }
0x56: {  	[tilespmem:$0x13A10] =	vst v1  }
0x57: {  	[tilespmem:$0x17490] =	vst v1  }
0x58: {  	[tilespmem:$0x13A20] =	vst v1  }
0x59: {  	[tilespmem:$0x174A0] =	vst v1  }
0x5a: {  	[tilespmem:$0x13A30] =	vst v1  }
0x5b: {  	[tilespmem:$0x174B0] =	vst v1  }
0x5c: {  	_ =	swait.ge [sflag:s9], $0x10000  }
0x5d: {  	[sflag:s9] =	ssyncset.done $0x0  }
0x5e: {  	v7 =	vimm.f32 $0.0e+00;
	s14 =	simm.s32 $0x0;
	s15 =	simm.s32 $0x0;
	[sflag:s9] =	ssyncadd.s32 $0xFFFF0000  }
.LBB2_4:
0x5f: {  	s16 =	sand.u32 $0xF000, s15;
	s17 =	sand.u32 $0x380, s14  }
0x60: {  	s16 =	sor.u32 s17, s16  }
0x61: {  	[tilespmem:$0x1FFE0] =	vst v7;
	v7 =	vld [tilespmem:s16+$0x0]  }
0x62: {  	v8 =	vld [tilespmem:s16+$0x20]  }
0x63: {  	v9 =	vld [tilespmem:s16+$0x40]  }
0x64: {  	v10 =	vld [tilespmem:s16+$0x60]  }
0x65: {  	v11 =	vld [tilespmem:s16+$0x400]  }
0x66: {  	v12 =	vld [tilespmem:s16+$0x420]  }
0x67: {  	v13 =	vld [tilespmem:s16+$0x440]  }
0x68: {  	v14 =	vld [tilespmem:s16+$0x460]  }
0x69: {  	v15 =	vld [tilespmem:s16+$0x800]  }
0x6a: {  	v16 =	vld [tilespmem:s16+$0x820]  }
0x6b: {  	v17 =	vld [tilespmem:s16+$0x840]  }
0x6c: {  	v53 =	vld [tilespmem:s16+$0xC20];
	v24 =	vadd.s32 v0, v7  }
0x6d: {  	v54 =	vld [tilespmem:s16+$0xC40];
	v25 =	vadd.s32 v0, v8  }
0x6e: {  	v55 =	vld [tilespmem:s16+$0xC60];
	v26 =	vadd.s32 v0, v9  }
0x6f: {  	v7 =	vld [tilespmem:s16+$0x860];
	v27 =	vadd.s32 v0, v10  }
0x70: {  	v8 =	vld [tilespmem:s16+$0xC00];
	v28 =	vadd.s32 v0, v11  }
0x71: {  	v29 =	vadd.s32 v0, v12;
	[tilespmem:v24+s10+$0x0] =	vst.idx.add.s32.msk $0xffff, v2  }
0x72: {  	v30 =	vadd.s32 v0, v13;
	[tilespmem:v25+s10+$0x0] =	vst.idx.add.s32.msk $0xffff, v2  }
0x73: {  	v31 =	vadd.s32 v0, v14;
	[tilespmem:v26+s10+$0x0] =	vst.idx.add.s32.msk $0xffff, v2  }
0x74: {  	v32 =	vadd.s32 v0, v15;
	[tilespmem:v27+s10+$0x0] =	vst.idx.add.s32.msk $0xffff, v2  }
0x75: {  	v33 =	vadd.s32 v0, v16;
	[tilespmem:v28+s10+$0x0] =	vst.idx.add.s32.msk $0xffff, v2  }
0x76: {  	v34 =	vadd.s32 v0, v17;
	[tilespmem:v29+s10+$0x0] =	vst.idx.add.s32.msk $0xffff, v2  }
0x77: {  	v35 =	vadd.s32 v0, v7;
	[tilespmem:v30+s10+$0x0] =	vst.idx.add.s32.msk $0xffff, v2  }
0x78: {  	v36 =	vadd.s32 v0, v8;
	[tilespmem:v31+s10+$0x0] =	vst.idx.add.s32.msk $0xffff, v2  }
0x79: {  	v37 =	vadd.s32 v0, v53;
	[tilespmem:v32+s10+$0x0] =	vst.idx.add.s32.msk $0xffff, v2  }
0x7a: {  	v38 =	vadd.s32 v0, v54;
	[tilespmem:v33+s10+$0x0] =	vst.idx.add.s32.msk $0xffff, v2  }
0x7b: {  	v39 =	vadd.s32 v0, v55;
	[tilespmem:v34+s10+$0x0] =	vst.idx.add.s32.msk $0xffff, v2  }
0x7c: {  	[tilespmem:v35+s10+$0x0] =	vst.idx.add.s32.msk $0xffff, v2  }
0x7d: {  	[tilespmem:v36+s10+$0x0] =	vst.idx.add.s32.msk $0xffff, v2  }
0x7e: {  	[tilespmem:v37+s10+$0x0] =	vst.idx.add.s32.msk $0xffff, v2  }
0x7f: {  	[tilespmem:v38+s10+$0x0] =	vst.idx.add.s32.msk $0xffff, v2  }
0x80: {  	[tilespmem:v39+s10+$0x0] =	vst.idx.add.s32.msk $0xffff, v2  }
0x81: {  	v7 =	vld [tilespmem:s16+$0x10]  }
0x82: {  	v8 =	vld [tilespmem:s16+$0x30]  }
0x83: {  	v56 =	vld [tilespmem:s16+$0x50]  }
0x84: {  	v57 =	vld [tilespmem:s16+$0x70]  }
0x85: {  	v58 =	vld [tilespmem:s16+$0x410]  }
0x86: {  	v59 =	vld [tilespmem:s16+$0x430]  }
0x87: {  	v60 =	vld [tilespmem:s16+$0x450]  }
0x88: {  	v61 =	vld [tilespmem:s16+$0x470]  }
0x89: {  	v62 =	vld [tilespmem:s16+$0x810]  }
0x8a: {  	v23 =	vld [tilespmem:s16+$0x830]  }
0x8b: {  	v40 =	vld [tilespmem:s16+$0x850]  }
0x8c: {  	v41 =	vld [tilespmem:s16+$0xC30];
	v22 =	vadd.s32 v0, v7  }
0x8d: {  	v42 =	vld [tilespmem:s16+$0xC50];
	v21 =	vadd.s32 v0, v8  }
0x8e: {  	v43 =	vld [tilespmem:s16+$0xC70];
	v20 =	vadd.s32 v0, v56  }
0x8f: {  	v7 =	vld [tilespmem:s16+$0x870];
	v19 =	vadd.s32 v0, v57  }
0x90: {  	v8 =	vld [tilespmem:s16+$0xC10];
	v18 =	vadd.s32 v0, v58  }
0x91: {  	v17 =	vadd.s32 v0, v59;
	[tilespmem:v22+s11+$0x0] =	vst.idx.add.s32.msk $0xffff, v2  }
0x92: {  	v16 =	vadd.s32 v0, v60;
	[tilespmem:v21+s11+$0x0] =	vst.idx.add.s32.msk $0xffff, v2  }
0x93: {  	v14 =	vadd.s32 v0, v61;
	[tilespmem:v20+s11+$0x0] =	vst.idx.add.s32.msk $0xffff, v2  }
0x94: {  	v15 =	vadd.s32 v0, v62;
	[tilespmem:v19+s11+$0x0] =	vst.idx.add.s32.msk $0xffff, v2  }
0x95: {  	v12 =	vadd.s32 v0, v23;
	[tilespmem:v18+s11+$0x0] =	vst.idx.add.s32.msk $0xffff, v2  }
0x96: {  	v13 =	vadd.s32 v0, v40;
	[tilespmem:v17+s11+$0x0] =	vst.idx.add.s32.msk $0xffff, v2  }
0x97: {  	v9 =	vadd.s32 v0, v7;
	[tilespmem:v16+s11+$0x0] =	vst.idx.add.s32.msk $0xffff, v2  }
0x98: {  	v10 =	vadd.s32 v0, v8;
	[tilespmem:v14+s11+$0x0] =	vst.idx.add.s32.msk $0xffff, v2  }
0x99: {  	v7 =	vadd.s32 v0, v41;
	[tilespmem:v15+s11+$0x0] =	vst.idx.add.s32.msk $0xffff, v2  }
0x9a: {  	v11 =	vadd.s32 v0, v42;
	[tilespmem:v12+s11+$0x0] =	vst.idx.add.s32.msk $0xffff, v2  }
0x9b: {  	v8 =	vadd.s32 v0, v43;
	[tilespmem:v13+s11+$0x0] =	vst.idx.add.s32.msk $0xffff, v2  }
0x9c: {  	[tilespmem:v9+s11+$0x0] =	vst.idx.add.s32.msk $0xffff, v2  }
0x9d: {  	[tilespmem:v10+s11+$0x0] =	vst.idx.add.s32.msk $0xffff, v2  }
0x9e: {  	[tilespmem:v7+s11+$0x0] =	vst.idx.add.s32.msk $0xffff, v2  }
0x9f: {  	[tilespmem:v11+s11+$0x0] =	vst.idx.add.s32.msk $0xffff, v2  }
0xa0: {  	[tilespmem:v8+s11+$0x0] =	vst.idx.add.s32.msk $0xffff, v2  }
0xa1: {  	v40 =	vld.idx.msk [tilespmem:v3+s10+$0x0], $0xffff  }
0xa2: {  	v41 =	vld.idx.msk [tilespmem:v6+s10+$0x0], $0xffff  }
0xa3: {  	v42 =	vld.idx.msk [tilespmem:v5+s10+$0x0], $0xffff  }
0xa4: {  	v47 =	vld.idx.msk [tilespmem:v24+s10+$0x0], $0xffff  }
0xa5: {  	v48 =	vld.idx.msk [tilespmem:v25+s10+$0x0], $0xffff  }
0xa6: {  	v49 =	vld.idx.msk [tilespmem:v26+s10+$0x0], $0xffff  }
0xa7: {  	v50 =	vld.idx.msk [tilespmem:v27+s10+$0x0], $0xffff  }
0xa8: {  	v51 =	vld.idx.msk [tilespmem:v28+s10+$0x0], $0xffff  }
0xa9: {  	v52 =	vld.idx.msk [tilespmem:v29+s10+$0x0], $0xffff  }
0xaa: {  	v53 =	vld.idx.msk [tilespmem:v30+s10+$0x0], $0xffff  }
0xab: {  	v54 =	vld.idx.msk [tilespmem:v31+s10+$0x0], $0xffff  }
0xac: {  	v55 =	vld.idx.msk [tilespmem:v32+s10+$0x0], $0xffff  }
0xad: {  	v56 =	vld.idx.msk [tilespmem:v33+s10+$0x0], $0xffff  }
0xae: {  	v57 =	vld.idx.msk [tilespmem:v34+s10+$0x0], $0xffff  }
0xaf: {  	v58 =	vld.idx.msk [tilespmem:v35+s10+$0x0], $0xffff  }
0xb0: {  	v59 =	vld.idx.msk [tilespmem:v36+s10+$0x0], $0xffff  }
0xb1: {  	v60 =	vld.idx.msk [tilespmem:v37+s10+$0x0], $0xffff  }
0xb2: {  	v61 =	vld.idx.msk [tilespmem:v38+s10+$0x0], $0xffff  }
0xb3: {  	v62 =	vld.idx.msk [tilespmem:v39+s10+$0x0], $0xffff  }
0xb4: {  	v44 =	vld.idx.msk [tilespmem:v40+s7+$0x0], $0xffff  }
0xb5: {  	v45 =	vld.idx.msk [tilespmem:v41+s7+$0x0], $0xffff  }
0xb6: {  	v46 =	vld.idx.msk [tilespmem:v42+s7+$0x0], $0xffff  }
0xb7: {  	v47 =	vld.idx.msk [tilespmem:v47+s7+$0x0], $0xffff  }
0xb8: {  	v48 =	vld.idx.msk [tilespmem:v48+s7+$0x0], $0xffff  }
0xb9: {  	v49 =	vld.idx.msk [tilespmem:v49+s7+$0x0], $0xffff  }
0xba: {  	v50 =	vld.idx.msk [tilespmem:v50+s7+$0x0], $0xffff  }
0xbb: {  	v51 =	vld.idx.msk [tilespmem:v51+s7+$0x0], $0xffff  }
0xbc: {  	v52 =	vld.idx.msk [tilespmem:v52+s7+$0x0], $0xffff  }
0xbd: {  	v53 =	vld.idx.msk [tilespmem:v53+s7+$0x0], $0xffff  }
0xbe: {  	v54 =	vld.idx.msk [tilespmem:v54+s7+$0x0], $0xffff  }
0xbf: {  	v55 =	vld.idx.msk [tilespmem:v55+s7+$0x0], $0xffff  }
0xc0: {  	v63 =	vadd.s32 v41, v40;
	v56 =	vld.idx.msk [tilespmem:v56+s7+$0x0], $0xffff  }
0xc1: {  	v23 =	vadd.s32 v42, v63;
	v57 =	vld.idx.msk [tilespmem:v57+s7+$0x0], $0xffff  }
0xc2: {  	v43 =	vsub.s32 $0x40, v23;
	v58 =	vld.idx.msk [tilespmem:v58+s7+$0x0], $0xffff  }
0xc3: {  	v59 =	vld.idx.msk [tilespmem:v59+s7+$0x0], $0xffff  }
0xc4: {  	v60 =	vld.idx.msk [tilespmem:v60+s7+$0x0], $0xffff  }
0xc5: {  	v61 =	vld.idx.msk [tilespmem:v61+s7+$0x0], $0xffff  }
0xc6: {  	v62 =	vld.idx.msk [tilespmem:v62+s7+$0x0], $0xffff  }
0xc7: {  	v23 =	vld.idx.msk [tilespmem:v43+s7+$0x0], $0xffff;
	[tilespmem:v24+s10+$0x0] =	vst.idx.msk $0xffff, v1  }
0xc8: {  	[tilespmem:v25+s10+$0x0] =	vst.idx.msk $0xffff, v1  }
0xc9: {  	[tilespmem:v26+s10+$0x0] =	vst.idx.msk $0xffff, v1  }
0xca: {  	[tilespmem:v27+s10+$0x0] =	vst.idx.msk $0xffff, v1  }
0xcb: {  	[tilespmem:v28+s10+$0x0] =	vst.idx.msk $0xffff, v1  }
0xcc: {  	[tilespmem:v29+s10+$0x0] =	vst.idx.msk $0xffff, v1  }
0xcd: {  	[tilespmem:v30+s10+$0x0] =	vst.idx.msk $0xffff, v1  }
0xce: {  	[tilespmem:v31+s10+$0x0] =	vst.idx.msk $0xffff, v1  }
0xcf: {  	[tilespmem:v32+s10+$0x0] =	vst.idx.msk $0xffff, v1  }
0xd0: {  	[tilespmem:v33+s10+$0x0] =	vst.idx.msk $0xffff, v1  }
0xd1: {  	[tilespmem:v34+s10+$0x0] =	vst.idx.msk $0xffff, v1  }
0xd2: {  	[tilespmem:v35+s10+$0x0] =	vst.idx.msk $0xffff, v1  }
0xd3: {  	[tilespmem:v36+s10+$0x0] =	vst.idx.msk $0xffff, v1  }
0xd4: {  	[tilespmem:v37+s10+$0x0] =	vst.idx.msk $0xffff, v1  }
0xd5: {  	[tilespmem:v38+s10+$0x0] =	vst.idx.msk $0xffff, v1  }
0xd6: {  	[tilespmem:v39+s10+$0x0] =	vst.idx.msk $0xffff, v1  }
0xd7: {  	v24 =	vld.idx.msk [tilespmem:v3+s11+$0x0], $0xffff  }
0xd8: {  	v25 =	vld.idx.msk [tilespmem:v6+s11+$0x0], $0xffff  }
0xd9: {  	v26 =	vld.idx.msk [tilespmem:v5+s11+$0x0], $0xffff  }
0xda: {  	v32 =	vld.idx.msk [tilespmem:v22+s11+$0x0], $0xffff  }
0xdb: {  	v33 =	vld.idx.msk [tilespmem:v21+s11+$0x0], $0xffff  }
0xdc: {  	v34 =	vld.idx.msk [tilespmem:v20+s11+$0x0], $0xffff  }
0xdd: {  	v35 =	vld.idx.msk [tilespmem:v19+s11+$0x0], $0xffff  }
0xde: {  	v36 =	vld.idx.msk [tilespmem:v18+s11+$0x0], $0xffff  }
0xdf: {  	v37 =	vld.idx.msk [tilespmem:v17+s11+$0x0], $0xffff  }
0xe0: {  	v38 =	vld.idx.msk [tilespmem:v16+s11+$0x0], $0xffff  }
0xe1: {  	v63 =	vld.idx.msk [tilespmem:v15+s11+$0x0], $0xffff  }
0xe2: {  	v5 =	vmov v3;
	v3 =	vld.idx.msk [tilespmem:v12+s11+$0x0], $0xffff  }
0xe3: {  	v4 =	vld.idx.msk [tilespmem:v13+s11+$0x0], $0xffff  }
0xe4: {  	v47 =	vadd.f32 v48, v47;
	v48 =	vld.idx.msk [tilespmem:v9+s11+$0x0], $0xffff  }
0xe5: {  	v49 =	vadd.f32 v50, v49;
	v50 =	vadd.f32 v52, v51;
	v51 =	vld.idx.msk [tilespmem:v10+s11+$0x0], $0xffff  }
0xe6: {  	v52 =	vadd.f32 v54, v53;
	v54 =	vld.idx.msk [tilespmem:v7+s11+$0x0], $0xffff  }
0xe7: {  	v53 =	vadd.f32 v56, v55;
	v56 =	vld.idx.msk [tilespmem:v11+s11+$0x0], $0xffff  }
0xe8: {  	v55 =	vadd.f32 v58, v57;
	v58 =	vld.idx.msk [tilespmem:v8+s11+$0x0], $0xffff;
	v39 =	vadd.s32 v25, v24  }
0xe9: {  	v27 =	vadd.s32 v26, v39;
	v39 =	vld.idx.msk [tilespmem:v14+s11+$0x0], $0xffff  }
0xea: {  	v29 =	vld.idx.msk [tilespmem:v24+s7+$0x0], $0xffff  }
0xeb: {  	v30 =	vld.idx.msk [tilespmem:v25+s7+$0x0], $0xffff  }
0xec: {  	v32 =	vld.idx.msk [tilespmem:v32+s7+$0x0], $0xffff  }
0xed: {  	v33 =	vld.idx.msk [tilespmem:v33+s7+$0x0], $0xffff  }
0xee: {  	v34 =	vld.idx.msk [tilespmem:v34+s7+$0x0], $0xffff  }
0xef: {  	v35 =	vld.idx.msk [tilespmem:v35+s7+$0x0], $0xffff  }
0xf0: {  	v36 =	vld.idx.msk [tilespmem:v36+s7+$0x0], $0xffff  }
0xf1: {  	v37 =	vld.idx.msk [tilespmem:v37+s7+$0x0], $0xffff  }
0xf2: {  	v47 =	vadd.f32 v49, v47;
	v49 =	vld.idx.msk [tilespmem:v63+s7+$0x0], $0xffff  }
0xf3: {  	v3 =	vld.idx.msk [tilespmem:v3+s7+$0x0], $0xffff  }
0xf4: {  	v40 =	vcvt.s32.f32 v40;
	v60 =	vadd.f32 v60, v59;
	v4 =	vld.idx.msk [tilespmem:v4+s7+$0x0], $0xffff  }
0xf5: {  	v62 =	vadd.f32 v62, v61;
	v44 =	vsub.f32 v23, v44;
	v27 =	vsub.s32 $0x40, v27;
	v48 =	vld.idx.msk [tilespmem:v48+s7+$0x0], $0xffff  }
0xf6: {  	v41 =	vcvt.s32.f32 v41;
	v59 =	vld.idx.msk [tilespmem:v51+s7+$0x0], $0xffff  }
0xf7: {  	v43 =	vcvt.s32.f32 v43;
	v40 =	vmul.f32 v40, v44;
	v44 =	vadd.f32 v62, v60;
	v60 =	vld.idx.msk [tilespmem:v54+s7+$0x0], $0xffff  }
0xf8: {  	v42 =	vcvt.s32.f32 v42;
	v52 =	vadd.f32 v52, v50;
	v45 =	vsub.f32 v23, v45;
	v61 =	vld.idx.msk [tilespmem:v56+s7+$0x0], $0xffff  }
0xf9: {  	v43 =	vmax.f32 v43, $1.000000000e+00;
	v55 =	vadd.f32 v55, v53;
	v46 =	vsub.f32 v23, v46;
	v62 =	vld.idx.msk [tilespmem:v58+s7+$0x0], $0xffff  }
0xfa: {  	(erf) = vrcp.f32 v43;
	v41 =	vmul.f32 v41, v45;
	v45 =	vadd.f32 v52, v47;
	v28 =	vld.idx.msk [tilespmem:v27+s7+$0x0], $0xffff  }
0xfb: {  	v57 =	vmul.f32 v42, v46;
	v40 =	vadd.f32 $0.0e+00, v40;
	v44 =	vadd.f32 v44, v55;
	v38 =	vld.idx.msk [tilespmem:v38+s7+$0x0], $0xffff  }
0xfc: {  	v52 =	vcvt.s32.f32 v26;
	v32 =	vadd.f32 v33, v32;
	v63 =	vadd.f32 v35, v34;
	v39 =	vld.idx.msk [tilespmem:v39+s7+$0x0], $0xffff  }
0xfd: {  	v31 =	vld.idx.msk [tilespmem:v26+s7+$0x0], $0xffff;
	v24 =	vcvt.s32.f32 v24;
	v46 =	vadd.f32 v37, v36;
	v3 =	vadd.f32 v3, v49  }
0xfe: {  	v27 =	vcvt.s32.f32 v27;
	v4 =	vadd.f32 v48, v4;
	v50 =	vadd.f32 v60, v59  }
0xff: {  	v25 =	vcvt.s32.f32 v25;
	v51 =	vadd.f32 v62, v61;
	v29 =	vsub.f32 v28, v29  }
0x100: {  	[tilespmem:v22+s11+$0x0] =	vst.idx.msk $0xffff, v1;
	v49 =	vmax.f32 v27, $1.000000000e+00;
	v53 =	vadd.f32 v63, v32;
	v3 =	vadd.f32 v4, v3  }
0x101: {  	v30 =	vsub.f32 v28, v30;
	v24 =	vmul.f32 v24, v29;
	v47 =	vadd.f32 v39, v38  }
0x102: {  	[tilespmem:v21+s11+$0x0] =	vst.idx.msk $0xffff, v1;
	(erf) = vrcp.f32 v49;
	v4 =	vadd.f32 v51, v50;
	v31 =	vsub.f32 v28, v31  }
0x103: {  	[tilespmem:v20+s11+$0x0] =	vst.idx.msk $0xffff, v1;
	v25 =	vmul.f32 v25, v30;
	v24 =	vadd.f32 $0.0e+00, v24;
	v30 =	vadd.f32 v47, v46  }
0x104: {  	v40 =	vadd.f32 v41, v40;
	[tilespmem:v19+s11+$0x0] =	vst.idx.msk $0xffff, v1;
	v3 =	vadd.f32 v4, v3  }
0x105: {  	v21 =	vmul.f32 v52, v31;
	v55 =	vadd.f32 v25, v24;
	v56 =	vadd.f32 v30, v53  }
0x106: {  	v44 =	vadd.f32 v44, v45;
	v40 =	vadd.f32 v57, v40;
	v54 =	vmul.f32 $1.600000000e+01, v23;
	[tilespmem:v18+s11+$0x0] =	vst.idx.msk $0xffff, v1  }
0x107: {  	v59 =	vmul.f32 $1.600000000e+01, v28;
	[tilespmem:v17+s11+$0x0] =	vst.idx.msk $0xffff, v1;
	v58 =	vadd.f32 v21, v55;
	v3 =	vadd.f32 v3, v56  }
0x108: {  	v57 =	vmul.f32 $2.500000000e-01, v40;
	[tilespmem:v16+s11+$0x0] =	vst.idx.msk $0xffff, v1  }
0x109: {  	v4 =	vsub.f32 v54, v44;
	[tilespmem:v14+s11+$0x0] =	vst.idx.msk $0xffff, v1;
	v3 =	vsub.f32 v59, v3;
	v60 =	vmul.f32 $2.500000000e-01, v58  }
0x10a: {  	v63 =	vld [tilespmem:$0x1FFE0];
	[tilespmem:v15+s11+$0x0] =	vst.idx.msk $0xffff, v1  }
0x10b: {  	v61 =	vpop (erf);
	v4 =	vsub.f32 v4, v57;
	[tilespmem:v12+s11+$0x0] =	vst.idx.msk $0xffff, v1;
	v3 =	vsub.f32 v3, v60  }
0x10c: {  	p0 =	sne.s32 s15, $0xFE00;
	[tilespmem:v13+s11+$0x0] =	vst.idx.msk $0xffff, v1;
	v62 =	vpop (erf)  }
.Ltmp1:
0x10d: {  	v4 =	vmul.f32 v4, v61;
	[tilespmem:v9+s11+$0x0] =	vst.idx.msk $0xffff, v1;
	v3 =	vmul.f32 v3, v62;
	(pc) =	sbr.rel @p0 .LBB2_4-.Ltmp1, $4  }
0x10e: {  	[tilespmem:v10+s11+$0x0] =	vst.idx.msk $0xffff, v1  }
0x10f: {  	v4 =	vadd.f32 v4, v63;
	[tilespmem:v7+s11+$0x0] =	vst.idx.msk $0xffff, v1  }
0x110: {  	[tilespmem:v11+s11+$0x0] =	vst.idx.msk $0xffff, v1  }
0x111: {  	s14 =	sadd.s32 $0x80, s14;
	s15 =	sadd.s32 $0x200, s15;
	[tilespmem:v8+s11+$0x0] =	vst.idx.msk $0xffff, v1;
	v7 =	vadd.f32 v3, v4;
	v3 =	vmov v5;
	v5 =	vld [tilespmem:$0x1FFF0]  }
0x112: {  	s13 =	sadd.s32 $0x1, s13  }
0x113: {  	p0 =	sne.s32 s13, s6  }
.Ltmp2:
0x114: {  	[tilespmem:$0x17580] =	vst v7;
	(pc) =	sbr.rel @p0 .LBB2_1-.Ltmp2, $4  }
0x115: {  	[hbm4b:s5+s3] =	stream.linear.scatter [tilespmem:s12], [sflag:$0x2], $0x80, $0x38;
	[tilespmem:$0x17600] =	vst v63  }
0x116: {  	_ =	swait.ge [sflag:s8], $0x80  }
0x117: {  	[sflag:s8] =	ssyncset.done $0x0  }
0x118: {  	[sflag:s8] =	ssyncadd.s32 $0xFFFFFF80  }
0x119: {  	_ =	sfence.sel $0x180000  }
0x11a: {  	[bflag:$0x0] =	sbarrier.arrive $0xFFFF  }
0x11b: {  	p0 =	sne.s32 s2, $0x0;
	_ =	strace $0x90000047  }
0x11c: {  	s0 =	sadd.s32 @!p0 $0x100000, s0;
	[bflag:$0x2] =	sbarrier.arrive $0xFFFF  }
0x11d: {  	[sflag:s0] =	ssyncadd.tile.s32 @!p0 $0x1;
	_ =	shalt  }
.Lfunc_end2:
_tile_overlayer_lowered:
.L_overlay_start_2:
0x11e: {  	(tag) =	ssettag $0x2  }
0x11f: {  	s0 =	rddreg [dreg:$0x0];
	s2 =	stileid.u32  }
0x120: {  	s1 =	rddreg [dreg:$0x1];
	p0 =	sne.s32 s2, $0x0  }
0x121: {  	s3 =	rddreg [dreg:$0x2];
	[bflag:$0x3] =	sbarrier.arrive $0xFFFF;
	s2 =	simm.s32 @!p0 $0x1C02  }
0x122: {  	[timem:s3], [sflag:s2] =	dma.local @!p0 [hbm:s0], s1  }
0x123: {  	s0 =	simm.s32 @!p0 $0x2  }
0x124: {  	_ =	swait.ge @!p0 [sflag:s0], s1  }
0x125: {  	s1 =	ssub.s32 @!p0 $0x0, s1;
	[sflag:s0] =	ssyncset.done @!p0 $0x0  }
0x126: {  	[sflag:s0] =	ssyncadd.s32 @!p0 s1  }
0x127: {  	[bflag:$0x3] =	sbarrier.arrive $0xFFFF  }
0x128: {  	_ =	shalt  }

</sc_bundles>
